<compile_context>
chip_gen: v7x
topology: tpu7x:2x2x1
jax: 0.10.2.dev20260603
libtpu: 0.0.44.dev20260713+nightly
codegen_flags: <defaults>
</compile_context>

<pallas_src>
import functools

import jax
import jax.numpy as jnp
from jax import lax
from jax.experimental import pallas as pl
from jax.experimental.pallas import tpu as pltpu
from jax.experimental.pallas import tpu_sc as plsc

B = 4096
K = 8192
D = 256
IN_D = 768
BT = 256
NBT = B // BT
DEC_BT = 512


def _enc_dist_body(x_ref, w_ref, b_ref, cb_ref, idx_ref):
    r = lax.dot_general(x_ref[...], w_ref[...], (((1,), (0,)), ((), ())),
                        preferred_element_type=jnp.float32) + b_ref[...]
    r_sq = jnp.sum(r * r, axis=-1, keepdims=True)
    cross = lax.dot_general(r, cb_ref[...], (((1,), (1,)), ((), ())),
                            preferred_element_type=jnp.float32)
    c_sq = jnp.sum(cb_ref[...] * cb_ref[...], axis=-1)[None, :]
    dist = r_sq - 2.0 * cross + c_sq
    idx_ref[0, 0, :] = jnp.argmin(dist, axis=-1).astype(jnp.int32)


def _dist_body(q_ref, cb_ref, idx_ref):
    q = q_ref[...]
    r_sq = jnp.sum(q * q, axis=-1, keepdims=True)
    cross = lax.dot_general(q, cb_ref[...], (((1,), (1,)), ((), ())),
                            preferred_element_type=jnp.float32)
    c_sq = jnp.sum(cb_ref[...] * cb_ref[...], axis=-1)[None, :]
    dist = r_sq - 2.0 * cross + c_sq
    idx_ref[0, 0, :] = jnp.argmin(dist, axis=-1).astype(jnp.int32)


def _enc_argmin(x, enc_W, enc_b2, cb):
    return pl.pallas_call(
        _enc_dist_body,
        grid=(NBT,),
        in_specs=[
            pl.BlockSpec((BT, IN_D), lambda b: (b, 0)),
            pl.BlockSpec((IN_D, D), lambda b: (0, 0)),
            pl.BlockSpec((1, D), lambda b: (0, 0)),
            pl.BlockSpec((K, D), lambda b: (0, 0)),
        ],
        out_specs=pl.BlockSpec((1, 1, BT), lambda b: (b, 0, 0)),
        out_shape=jax.ShapeDtypeStruct((NBT, 1, BT), jnp.int32),
    )(x, enc_W, enc_b2, cb)


def _argmin(q, cb):
    return pl.pallas_call(
        _dist_body,
        grid=(NBT,),
        in_specs=[
            pl.BlockSpec((BT, D), lambda b: (b, 0)),
            pl.BlockSpec((K, D), lambda b: (0, 0)),
        ],
        out_specs=pl.BlockSpec((1, 1, BT), lambda b: (b, 0, 0)),
        out_shape=jax.ShapeDtypeStruct((NBT, 1, BT), jnp.int32),
    )(q, cb)


def _sc_gather(table, idx):
    info = plsc.get_sparse_core_info()
    nc, ns = info.num_cores, info.num_subcores
    nw = nc * ns
    b_per_w = B // nw
    mesh = plsc.VectorSubcoreMesh(core_axis_name="c", subcore_axis_name="s")

    @functools.partial(
        pl.kernel, mesh=mesh,
        out_type=jax.ShapeDtypeStruct((B, D), jnp.float32),
        scratch_types=[
            pltpu.VMEM((b_per_w,), jnp.int32),
            pltpu.VMEM((b_per_w, D), jnp.float32),
            pltpu.SemaphoreType.DMA,
        ],
    )
    def k(table_hbm, idx_hbm, out_hbm, idx_v, rows_v, sem):
        wid = lax.axis_index("s") * nc + lax.axis_index("c")
        base = wid * b_per_w
        pltpu.sync_copy(idx_hbm.at[pl.ds(base, b_per_w)], idx_v)
        pltpu.async_copy(table_hbm.at[idx_v], rows_v, sem).wait()
        pltpu.sync_copy(rows_v, out_hbm.at[pl.ds(base, b_per_w)])

    return k(table, idx)


def _decode_body(q0_ref, q1_ref, q2_ref, w_ref, b_ref, o_ref):
    s = (q0_ref[...] + q1_ref[...]) + q2_ref[...]
    o_ref[...] = lax.dot_general(s, w_ref[...], (((1,), (0,)), ((), ())),
                                 preferred_element_type=jnp.float32) + b_ref[...]


def _decode(q0, q1, q2, dec_W, dec_b2):
    return pl.pallas_call(
        _decode_body,
        grid=(B // DEC_BT,),
        in_specs=[
            pl.BlockSpec((DEC_BT, D), lambda b: (b, 0)),
            pl.BlockSpec((DEC_BT, D), lambda b: (b, 0)),
            pl.BlockSpec((DEC_BT, D), lambda b: (b, 0)),
            pl.BlockSpec((D, D), lambda b: (0, 0)),
            pl.BlockSpec((1, D), lambda b: (0, 0)),
        ],
        out_specs=pl.BlockSpec((DEC_BT, D), lambda b: (b, 0)),
        out_shape=jax.ShapeDtypeStruct((B, D), jnp.float32),
    )(q0, q1, q2, dec_W, dec_b2)


def kernel(dense_content_embedding, enc_W, enc_b, cb0, cb1, cb2, dec_W, dec_b):
    idx0 = _enc_argmin(dense_content_embedding, enc_W,
                       enc_b.reshape(1, D), cb0).reshape(B)
    q0 = _sc_gather(cb0, idx0)
    idx1 = _argmin(q0, cb1).reshape(B)
    q1 = _sc_gather(cb1, idx1)
    idx2 = _argmin(q1, cb2).reshape(B)
    q2 = _sc_gather(cb2, idx2)
    return _decode(q0, q1, q2, dec_W, dec_b.reshape(1, D))

# --- scband reference (transcript-rebuilt; emitter-appended) ---
"""Pipeline reference for scband-semantic-ids-11785390260327 (READ-ONLY COPY).

The authoritative reference and input builder live on the scoring server;
editing this copy changes nothing except your own understanding.
"""

import jax, jax.numpy as jnp
import numpy as np

NUM_LAYERS = 3
CODEBOOK_SIZE = 8192
CODEBOOK_DIM = 256
IN_DIM = 768
BATCH = 4096


def setup_inputs(seed: int = 0) -> dict:
    key = jax.random.key(seed)
    ks = jax.random.split(key, 8)
    x = jax.random.normal(ks[0], (BATCH, IN_DIM), dtype=jnp.float32)
    enc_W = jax.random.normal(ks[1], (IN_DIM, CODEBOOK_DIM), dtype=jnp.float32) * 0.02
    enc_b = jnp.zeros((CODEBOOK_DIM,), dtype=jnp.float32)
    cb0 = jax.random.normal(ks[2], (CODEBOOK_SIZE, CODEBOOK_DIM), dtype=jnp.float32) * 0.05
    cb1 = jax.random.normal(ks[3], (CODEBOOK_SIZE, CODEBOOK_DIM), dtype=jnp.float32) * 0.05
    cb2 = jax.random.normal(ks[4], (CODEBOOK_SIZE, CODEBOOK_DIM), dtype=jnp.float32) * 0.05
    dec_W = jax.random.normal(ks[5], (CODEBOOK_DIM, CODEBOOK_DIM), dtype=jnp.float32) * 0.02
    dec_b = jnp.zeros((CODEBOOK_DIM,), dtype=jnp.float32)
    return {"dense_content_embedding": x, "enc_W": enc_W, "enc_b": enc_b,
            "cb0": cb0, "cb1": cb1, "cb2": cb2, "dec_W": dec_W, "dec_b": dec_b}


def _quantize(residual, codebook):
    # nearest-neighbor lookup: ||r - c||^2 = ||r||^2 - 2 r.c + ||c||^2
    r_sq = jnp.sum(residual * residual, axis=-1, keepdims=True)          # [B, 1]
    cross = residual @ codebook.T                                        # [B, K]
    c_sq = jnp.sum(codebook * codebook, axis=-1)[None, :]                # [1, K]
    dist = r_sq - 2.0 * cross + c_sq                                     # [B, K]
    idx = jnp.argmin(dist, axis=-1)                                      # [B]
    quantized = jnp.take(codebook, idx, axis=0)                          # [B, D] (SC gather)
    return idx, quantized


def reference(dense_content_embedding, enc_W, enc_b, cb0, cb1, cb2, dec_W, dec_b):
    # encoder
    r0 = dense_content_embedding @ enc_W + enc_b
    # SemanticIdGenerator (training path): residual quantization as written in the module
    residual = r0
    reconstruction = []
    for cb in (cb0, cb1, cb2):
        _, quantized = _quantize(residual, cb)
        reconstruction.append(quantized)
        residual = quantized
    reconstructed = jnp.sum(jnp.stack(reconstruction, axis=-1), axis=-1)  # [B, D]
    # decoder
    out = reconstructed @ dec_W + dec_b
    return out

if __name__ == "__main__":
    import jax
    _d = setup_inputs()
    print(jax.jit(kernel)(*tuple(_d.values())))

</pallas_src>

<mosaic_0001>
#map = affine_map<(d0, d1) -> (0, 0)>
#map1 = affine_map<(d0, d1) -> (0)>
module attributes {stable_mosaic.version = 14 : i64} {
  func.func @k(%arg0: i32, %arg1: i32, %arg2: memref<8192x256xf32, #tpu.memory_space<hbm>>, %arg3: memref<4096xi32, #tpu.memory_space<hbm>>, %arg4: memref<4096x256xf32, #tpu.memory_space<hbm>>, %arg5: memref<128xi32, #tpu.memory_space<vmem>>, %arg6: memref<128x256xf32, #tpu.memory_space<vmem>>, %arg7: memref<!tpu.dma_semaphore, #tpu.memory_space<semaphore_mem>>) attributes {dimension_semantics = [#tpu.dimension_semantics<core_parallel>, #tpu.dimension_semantics<subcore_parallel>], iteration_bounds = array<i64: 2, 16>, scalar_prefetch = 0 : i64, scratch_operands = 3 : i64, tpu.core_type = #tpu.core_type<sc_vector_subcore>, window_params = [{transform_indices = #map}, {transform_indices = #map1}, {transform_indices = #map}]} {
    %mul3A = arith.constant 2 : i32
    %mul3A_0 = arith.muli %arg1, %mul3A : i32
    %add3A = arith.addi %mul3A_0, %arg0 : i32
    %mul3A_1 = arith.constant 128 : i32
    %mul3A_2 = arith.muli %add3A, %mul3A_1 : i32
    "tpu.region"() ({
      %run_scoped3A = tpu.sem_alloc : memref<!tpu.dma_semaphore, #tpu.memory_space<semaphore_mem>>
      %dma_start3A_7 = tpu.memref_slice %arg3[%mul3A_2] : memref<4096xi32, #tpu.memory_space<hbm>> -> memref<128xi32, #tpu.memory_space<hbm>>
      %dma_start3A_8 = tpu.memref_slice %arg3[%mul3A_2] : memref<4096xi32, #tpu.memory_space<hbm>> -> memref<128xi32, #tpu.memory_space<hbm>>
      tpu.enqueue_dma source(%dma_start3A_8 : memref<128xi32, #tpu.memory_space<hbm>>) target(%arg5 : memref<128xi32, #tpu.memory_space<vmem>>) target_semaphore(%run_scoped3A : memref<!tpu.dma_semaphore, #tpu.memory_space<semaphore_mem>>)
      %dma_wait3A_9 = tpu.memref_slice %arg3[%mul3A_2] : memref<4096xi32, #tpu.memory_space<hbm>> -> memref<128xi32, #tpu.memory_space<hbm>>
      %dma_wait3A_10 = tpu.memref_slice %arg3[%mul3A_2] : memref<4096xi32, #tpu.memory_space<hbm>> -> memref<128xi32, #tpu.memory_space<hbm>>
      tpu.wait_dma2 semaphore(%run_scoped3A : memref<!tpu.dma_semaphore, #tpu.memory_space<semaphore_mem>>) src(%dma_wait3A_10 : memref<128xi32, #tpu.memory_space<hbm>>) dst(%arg5 : memref<128xi32, #tpu.memory_space<vmem>>)
      tpu.yield
    }) : () -> ()
    %dma_start3A = arith.constant 0 : i32
    %dma_start3A_3 = arith.constant 0 : i32
    %dma_start3A_4 = tpu.memref_slice %arg2[%dma_start3A, %dma_start3A_3] : memref<8192x256xf32, #tpu.memory_space<hbm>> -> memref<8192x256xf32, #tpu.memory_space<hbm>>
    tpu.enqueue_indirect_dma source(%dma_start3A_4 : memref<8192x256xf32, #tpu.memory_space<hbm>>) target(%arg6 : memref<128x256xf32, #tpu.memory_space<vmem>>) offsets(%arg5 : memref<128xi32, #tpu.memory_space<vmem>>) semaphore(%arg7 : memref<!tpu.dma_semaphore, #tpu.memory_space<semaphore_mem>>)
    %dma_wait3A = arith.constant 0 : i32
    %dma_wait3A_5 = arith.constant 0 : i32
    %dma_wait3A_6 = tpu.memref_slice %arg2[%dma_wait3A, %dma_wait3A_5] : memref<8192x256xf32, #tpu.memory_space<hbm>> -> memref<8192x256xf32, #tpu.memory_space<hbm>>
    tpu.wait_indirect_dma semaphore(%arg7 : memref<!tpu.dma_semaphore, #tpu.memory_space<semaphore_mem>>) src(%dma_wait3A_6 : memref<8192x256xf32, #tpu.memory_space<hbm>>) dst(%arg6 : memref<128x256xf32, #tpu.memory_space<vmem>>)
    "tpu.region"() ({
      %run_scoped3A = tpu.sem_alloc : memref<!tpu.dma_semaphore, #tpu.memory_space<semaphore_mem>>
      %dma_start3A_7 = arith.constant 0 : i32
      %dma_start3A_8 = tpu.memref_slice %arg4[%mul3A_2, %dma_start3A_7] : memref<4096x256xf32, #tpu.memory_space<hbm>> -> memref<128x256xf32, #tpu.memory_space<hbm>>
      %dma_start3A_9 = arith.constant 0 : i32
      %dma_start3A_10 = tpu.memref_slice %arg4[%mul3A_2, %dma_start3A_9] : memref<4096x256xf32, #tpu.memory_space<hbm>> -> memref<128x256xf32, #tpu.memory_space<hbm>>
      tpu.enqueue_dma source(%arg6 : memref<128x256xf32, #tpu.memory_space<vmem>>) target(%dma_start3A_10 : memref<128x256xf32, #tpu.memory_space<hbm>>) target_semaphore(%run_scoped3A : memref<!tpu.dma_semaphore, #tpu.memory_space<semaphore_mem>>)
      %dma_wait3A_11 = arith.constant 0 : i32
      %dma_wait3A_12 = tpu.memref_slice %arg4[%mul3A_2, %dma_wait3A_11] : memref<4096x256xf32, #tpu.memory_space<hbm>> -> memref<128x256xf32, #tpu.memory_space<hbm>>
      %dma_wait3A_13 = arith.constant 0 : i32
      %dma_wait3A_14 = tpu.memref_slice %arg4[%mul3A_2, %dma_wait3A_13] : memref<4096x256xf32, #tpu.memory_space<hbm>> -> memref<128x256xf32, #tpu.memory_space<hbm>>
      tpu.wait_dma2 semaphore(%run_scoped3A : memref<!tpu.dma_semaphore, #tpu.memory_space<semaphore_mem>>) src(%arg6 : memref<128x256xf32, #tpu.memory_space<vmem>>) dst(%dma_wait3A_14 : memref<128x256xf32, #tpu.memory_space<hbm>>)
      tpu.yield
    }) : () -> ()
    return
  }
}

#map = affine_map<(d0, d1) -> (0, 0)>
#map1 = affine_map<(d0, d1) -> (0)>
module attributes {stable_mosaic.version = 14 : i64} {
  func.func @k(%arg0: i32, %arg1: i32, %arg2: memref<8192x256xf32, #tpu.memory_space<hbm>>, %arg3: memref<4096xi32, #tpu.memory_space<hbm>>, %arg4: memref<4096x256xf32, #tpu.memory_space<hbm>>, %arg5: memref<128xi32, #tpu.memory_space<vmem>>, %arg6: memref<128x256xf32, #tpu.memory_space<vmem>>, %arg7: memref<!tpu.dma_semaphore, #tpu.memory_space<semaphore_mem>>) attributes {dimension_semantics = [#tpu.dimension_semantics<core_parallel>, #tpu.dimension_semantics<subcore_parallel>], iteration_bounds = array<i64: 2, 16>, scalar_prefetch = 0 : i64, scratch_operands = 3 : i64, tpu.core_type = #tpu.core_type<sc_vector_subcore>, window_params = [{transform_indices = #map}, {transform_indices = #map1}, {transform_indices = #map}]} {
    %mul3A = arith.constant 2 : i32
    %mul3A_0 = arith.muli %arg1, %mul3A : i32
    %add3A = arith.addi %mul3A_0, %arg0 : i32
    %mul3A_1 = arith.constant 128 : i32
    %mul3A_2 = arith.muli %add3A, %mul3A_1 : i32
    "tpu.region"() ({
      %run_scoped3A = tpu.sem_alloc : memref<!tpu.dma_semaphore, #tpu.memory_space<semaphore_mem>>
      %dma_start3A_7 = tpu.memref_slice %arg3[%mul3A_2] : memref<4096xi32, #tpu.memory_space<hbm>> -> memref<128xi32, #tpu.memory_space<hbm>>
      %dma_start3A_8 = tpu.memref_slice %arg3[%mul3A_2] : memref<4096xi32, #tpu.memory_space<hbm>> -> memref<128xi32, #tpu.memory_space<hbm>>
      tpu.enqueue_dma source(%dma_start3A_8 : memref<128xi32, #tpu.memory_space<hbm>>) target(%arg5 : memref<128xi32, #tpu.memory_space<vmem>>) target_semaphore(%run_scoped3A : memref<!tpu.dma_semaphore, #tpu.memory_space<semaphore_mem>>)
      %dma_wait3A_9 = tpu.memref_slice %arg3[%mul3A_2] : memref<4096xi32, #tpu.memory_space<hbm>> -> memref<128xi32, #tpu.memory_space<hbm>>
      %dma_wait3A_10 = tpu.memref_slice %arg3[%mul3A_2] : memref<4096xi32, #tpu.memory_space<hbm>> -> memref<128xi32, #tpu.memory_space<hbm>>
      tpu.wait_dma2 semaphore(%run_scoped3A : memref<!tpu.dma_semaphore, #tpu.memory_space<semaphore_mem>>) src(%dma_wait3A_10 : memref<128xi32, #tpu.memory_space<hbm>>) dst(%arg5 : memref<128xi32, #tpu.memory_space<vmem>>)
      tpu.yield
    }) : () -> ()
    %dma_start3A = arith.constant 0 : i32
    %dma_start3A_3 = arith.constant 0 : i32
    %dma_start3A_4 = tpu.memref_slice %arg2[%dma_start3A, %dma_start3A_3] : memref<8192x256xf32, #tpu.memory_space<hbm>> -> memref<8192x256xf32, #tpu.memory_space<hbm>>
    tpu.enqueue_indirect_dma source(%dma_start3A_4 : memref<8192x256xf32, #tpu.memory_space<hbm>>) target(%arg6 : memref<128x256xf32, #tpu.memory_space<vmem>>) offsets(%arg5 : memref<128xi32, #tpu.memory_space<vmem>>) semaphore(%arg7 : memref<!tpu.dma_semaphore, #tpu.memory_space<semaphore_mem>>)
    %dma_wait3A = arith.constant 0 : i32
    %dma_wait3A_5 = arith.constant 0 : i32
    %dma_wait3A_6 = tpu.memref_slice %arg2[%dma_wait3A, %dma_wait3A_5] : memref<8192x256xf32, #tpu.memory_space<hbm>> -> memref<8192x256xf32, #tpu.memory_space<hbm>>
    tpu.wait_indirect_dma semaphore(%arg7 : memref<!tpu.dma_semaphore, #tpu.memory_space<semaphore_mem>>) src(%dma_wait3A_6 : memref<8192x256xf32, #tpu.memory_space<hbm>>) dst(%arg6 : memref<128x256xf32, #tpu.memory_space<vmem>>)
    "tpu.region"() ({
      %run_scoped3A = tpu.sem_alloc : memref<!tpu.dma_semaphore, #tpu.memory_space<semaphore_mem>>
      %dma_start3A_7 = arith.constant 0 : i32
      %dma_start3A_8 = tpu.memref_slice %arg4[%mul3A_2, %dma_start3A_7] : memref<4096x256xf32, #tpu.memory_space<hbm>> -> memref<128x256xf32, #tpu.memory_space<hbm>>
      %dma_start3A_9 = arith.constant 0 : i32
      %dma_start3A_10 = tpu.memref_slice %arg4[%mul3A_2, %dma_start3A_9] : memref<4096x256xf32, #tpu.memory_space<hbm>> -> memref<128x256xf32, #tpu.memory_space<hbm>>
      tpu.enqueue_dma source(%arg6 : memref<128x256xf32, #tpu.memory_space<vmem>>) target(%dma_start3A_10 : memref<128x256xf32, #tpu.memory_space<hbm>>) target_semaphore(%run_scoped3A : memref<!tpu.dma_semaphore, #tpu.memory_space<semaphore_mem>>)
      %dma_wait3A_11 = arith.constant 0 : i32
      %dma_wait3A_12 = tpu.memref_slice %arg4[%mul3A_2, %dma_wait3A_11] : memref<4096x256xf32, #tpu.memory_space<hbm>> -> memref<128x256xf32, #tpu.memory_space<hbm>>
      %dma_wait3A_13 = arith.constant 0 : i32
      %dma_wait3A_14 = tpu.memref_slice %arg4[%mul3A_2, %dma_wait3A_13] : memref<4096x256xf32, #tpu.memory_space<hbm>> -> memref<128x256xf32, #tpu.memory_space<hbm>>
      tpu.wait_dma2 semaphore(%run_scoped3A : memref<!tpu.dma_semaphore, #tpu.memory_space<semaphore_mem>>) src(%arg6 : memref<128x256xf32, #tpu.memory_space<vmem>>) dst(%dma_wait3A_14 : memref<128x256xf32, #tpu.memory_space<hbm>>)
      tpu.yield
    }) : () -> ()
    return
  }
}

#map = affine_map<(d0, d1) -> (0, 0)>
#map1 = affine_map<(d0, d1) -> (0)>
module attributes {stable_mosaic.version = 14 : i64} {
  func.func @k(%arg0: i32, %arg1: i32, %arg2: memref<8192x256xf32, #tpu.memory_space<hbm>>, %arg3: memref<4096xi32, #tpu.memory_space<hbm>>, %arg4: memref<4096x256xf32, #tpu.memory_space<hbm>>, %arg5: memref<128xi32, #tpu.memory_space<vmem>>, %arg6: memref<128x256xf32, #tpu.memory_space<vmem>>, %arg7: memref<!tpu.dma_semaphore, #tpu.memory_space<semaphore_mem>>) attributes {dimension_semantics = [#tpu.dimension_semantics<core_parallel>, #tpu.dimension_semantics<subcore_parallel>], iteration_bounds = array<i64: 2, 16>, scalar_prefetch = 0 : i64, scratch_operands = 3 : i64, tpu.core_type = #tpu.core_type<sc_vector_subcore>, window_params = [{transform_indices = #map}, {transform_indices = #map1}, {transform_indices = #map}]} {
    %mul3A = arith.constant 2 : i32
    %mul3A_0 = arith.muli %arg1, %mul3A : i32
    %add3A = arith.addi %mul3A_0, %arg0 : i32
    %mul3A_1 = arith.constant 128 : i32
    %mul3A_2 = arith.muli %add3A, %mul3A_1 : i32
    "tpu.region"() ({
      %run_scoped3A = tpu.sem_alloc : memref<!tpu.dma_semaphore, #tpu.memory_space<semaphore_mem>>
      %dma_start3A_7 = tpu.memref_slice %arg3[%mul3A_2] : memref<4096xi32, #tpu.memory_space<hbm>> -> memref<128xi32, #tpu.memory_space<hbm>>
      %dma_start3A_8 = tpu.memref_slice %arg3[%mul3A_2] : memref<4096xi32, #tpu.memory_space<hbm>> -> memref<128xi32, #tpu.memory_space<hbm>>
      tpu.enqueue_dma source(%dma_start3A_8 : memref<128xi32, #tpu.memory_space<hbm>>) target(%arg5 : memref<128xi32, #tpu.memory_space<vmem>>) target_semaphore(%run_scoped3A : memref<!tpu.dma_semaphore, #tpu.memory_space<semaphore_mem>>)
      %dma_wait3A_9 = tpu.memref_slice %arg3[%mul3A_2] : memref<4096xi32, #tpu.memory_space<hbm>> -> memref<128xi32, #tpu.memory_space<hbm>>
      %dma_wait3A_10 = tpu.memref_slice %arg3[%mul3A_2] : memref<4096xi32, #tpu.memory_space<hbm>> -> memref<128xi32, #tpu.memory_space<hbm>>
      tpu.wait_dma2 semaphore(%run_scoped3A : memref<!tpu.dma_semaphore, #tpu.memory_space<semaphore_mem>>) src(%dma_wait3A_10 : memref<128xi32, #tpu.memory_space<hbm>>) dst(%arg5 : memref<128xi32, #tpu.memory_space<vmem>>)
      tpu.yield
    }) : () -> ()
    %dma_start3A = arith.constant 0 : i32
    %dma_start3A_3 = arith.constant 0 : i32
    %dma_start3A_4 = tpu.memref_slice %arg2[%dma_start3A, %dma_start3A_3] : memref<8192x256xf32, #tpu.memory_space<hbm>> -> memref<8192x256xf32, #tpu.memory_space<hbm>>
    tpu.enqueue_indirect_dma source(%dma_start3A_4 : memref<8192x256xf32, #tpu.memory_space<hbm>>) target(%arg6 : memref<128x256xf32, #tpu.memory_space<vmem>>) offsets(%arg5 : memref<128xi32, #tpu.memory_space<vmem>>) semaphore(%arg7 : memref<!tpu.dma_semaphore, #tpu.memory_space<semaphore_mem>>)
    %dma_wait3A = arith.constant 0 : i32
    %dma_wait3A_5 = arith.constant 0 : i32
    %dma_wait3A_6 = tpu.memref_slice %arg2[%dma_wait3A, %dma_wait3A_5] : memref<8192x256xf32, #tpu.memory_space<hbm>> -> memref<8192x256xf32, #tpu.memory_space<hbm>>
    tpu.wait_indirect_dma semaphore(%arg7 : memref<!tpu.dma_semaphore, #tpu.memory_space<semaphore_mem>>) src(%dma_wait3A_6 : memref<8192x256xf32, #tpu.memory_space<hbm>>) dst(%arg6 : memref<128x256xf32, #tpu.memory_space<vmem>>)
    "tpu.region"() ({
      %run_scoped3A = tpu.sem_alloc : memref<!tpu.dma_semaphore, #tpu.memory_space<semaphore_mem>>
      %dma_start3A_7 = arith.constant 0 : i32
      %dma_start3A_8 = tpu.memref_slice %arg4[%mul3A_2, %dma_start3A_7] : memref<4096x256xf32, #tpu.memory_space<hbm>> -> memref<128x256xf32, #tpu.memory_space<hbm>>
      %dma_start3A_9 = arith.constant 0 : i32
      %dma_start3A_10 = tpu.memref_slice %arg4[%mul3A_2, %dma_start3A_9] : memref<4096x256xf32, #tpu.memory_space<hbm>> -> memref<128x256xf32, #tpu.memory_space<hbm>>
      tpu.enqueue_dma source(%arg6 : memref<128x256xf32, #tpu.memory_space<vmem>>) target(%dma_start3A_10 : memref<128x256xf32, #tpu.memory_space<hbm>>) target_semaphore(%run_scoped3A : memref<!tpu.dma_semaphore, #tpu.memory_space<semaphore_mem>>)
      %dma_wait3A_11 = arith.constant 0 : i32
      %dma_wait3A_12 = tpu.memref_slice %arg4[%mul3A_2, %dma_wait3A_11] : memref<4096x256xf32, #tpu.memory_space<hbm>> -> memref<128x256xf32, #tpu.memory_space<hbm>>
      %dma_wait3A_13 = arith.constant 0 : i32
      %dma_wait3A_14 = tpu.memref_slice %arg4[%mul3A_2, %dma_wait3A_13] : memref<4096x256xf32, #tpu.memory_space<hbm>> -> memref<128x256xf32, #tpu.memory_space<hbm>>
      tpu.wait_dma2 semaphore(%run_scoped3A : memref<!tpu.dma_semaphore, #tpu.memory_space<semaphore_mem>>) src(%arg6 : memref<128x256xf32, #tpu.memory_space<vmem>>) dst(%dma_wait3A_14 : memref<128x256xf32, #tpu.memory_space<hbm>>)
      tpu.yield
    }) : () -> ()
    return
  }
}

module attributes {stable_mosaic.version = 14 : i64} {
  func.func @_dist_body(%arg0: i32, %arg1: memref<256x256xf32, #tpu.memory_space<vmem>>, %arg2: memref<8192x256xf32, #tpu.memory_space<vmem>>, %arg3: memref<1x1x256xi32, #tpu.memory_space<vmem>>) attributes {dimension_semantics = [#tpu.dimension_semantics<arbitrary>], iteration_bounds = array<i64: 16>, scalar_prefetch = 0 : i64, scratch_operands = 0 : i64, tpu.core_type = #tpu.core_type<tc>, window_params = [{transform_indices = @transform_0, window_bounds = array<i64: 256, 256>}, {pipeline_mode = #tpu.pipeline_mode<synchronous>, transform_indices = @transform_1, window_bounds = array<i64: 8192, 256>}, {transform_indices = @transform_2, window_bounds = array<i64: 1, 1, 256>}]} {
    %get3A = arith.constant 0 : index
    %get3A_0 = arith.constant 0 : index
    %get3A_1 = vector.load %arg1[%get3A, %get3A_0] : memref<256x256xf32, #tpu.memory_space<vmem>>, vector<256x256xf32>
    %mul3A = arith.mulf %get3A_1, %get3A_1 : vector<256x256xf32>
    %reduce_sum3A = arith.constant dense<0.000000e+00> : vector<256xf32>
    %reduce_sum3A_2 = vector.multi_reduction <add>, %mul3A, %reduce_sum3A [1] : vector<256x256xf32> to vector<256xf32>
    %broadcast_in_dim3A = vector.shape_cast %reduce_sum3A_2 : vector<256xf32> to vector<256x1xf32>
    %get3A_3 = arith.constant 0 : index
    %get3A_4 = arith.constant 0 : index
    %get3A_5 = vector.load %arg2[%get3A_3, %get3A_4] : memref<8192x256xf32, #tpu.memory_space<vmem>>, vector<8192x256xf32>
    %dot_general3A = arith.constant dense<0.000000e+00> : vector<256x8192xf32>
    %dot_general3A_6 = tpu.matmul %get3A_1, %get3A_5, %dot_general3A {dimension_numbers = #tpu.dot_dimension_numbers<[1], [1], [0], [0], [0, 0, 1, 0], [], []>, transpose_lhs_hint = false} : vector<256x256xf32>, vector<8192x256xf32>, vector<256x8192xf32> -> vector<256x8192xf32>
    %get3A_7 = arith.constant 0 : index
    %get3A_8 = arith.constant 0 : index
    %get3A_9 = vector.load %arg2[%get3A_7, %get3A_8] : memref<8192x256xf32, #tpu.memory_space<vmem>>, vector<8192x256xf32>
    %get3A_10 = arith.constant 0 : index
    %get3A_11 = arith.constant 0 : index
    %get3A_12 = vector.load %arg2[%get3A_10, %get3A_11] : memref<8192x256xf32, #tpu.memory_space<vmem>>, vector<8192x256xf32>
    %mul3A_13 = arith.mulf %get3A_9, %get3A_12 : vector<8192x256xf32>
    %reduce_sum3A_14 = arith.constant dense<0.000000e+00> : vector<8192xf32>
    %reduce_sum3A_15 = vector.multi_reduction <add>, %mul3A_13, %reduce_sum3A_14 [1] : vector<8192x256xf32> to vector<8192xf32>
    %broadcast_in_dim3A_16 = vector.shape_cast %reduce_sum3A_15 : vector<8192xf32> to vector<1x8192xf32>
    %mul3A_17 = arith.constant 2.000000e+00 : f32
    %mul3A_18 = vector.broadcast %mul3A_17 : f32 to vector<256x8192xf32>
    %mul3A_19 = arith.mulf %mul3A_18, %dot_general3A_6 : vector<256x8192xf32>
    %sub3A = vector.broadcast %broadcast_in_dim3A : vector<256x1xf32> to vector<256x8192xf32>
    %sub3A_20 = arith.subf %sub3A, %mul3A_19 : vector<256x8192xf32>
    %add3A = vector.broadcast %broadcast_in_dim3A_16 : vector<1x8192xf32> to vector<256x8192xf32>
    %add3A_21 = arith.addf %sub3A_20, %add3A : vector<256x8192xf32>
    %argmin3A = tpu.reduce_index %add3A_21 {axis = 1 : i32, kind = #tpu.reduction_kind<arg_min>} : vector<256x8192xf32> -> vector<256xi32>
    %swap3A = arith.constant 0 : index
    %swap3A_22 = arith.constant 0 : index
    %swap3A_23 = arith.constant 0 : index
    %swap3A_24 = vector.load %arg3[%swap3A, %swap3A_22, %swap3A_23] : memref<1x1x256xi32, #tpu.memory_space<vmem>>, vector<1x1x256xi32>
    %swap3A_25 = vector.shape_cast %swap3A_24 : vector<1x1x256xi32> to vector<256xi32>
    %swap3A_26 = vector.shape_cast %argmin3A : vector<256xi32> to vector<1x1x256xi32>
    tpu.vector_store %arg3[%swap3A, %swap3A_22, %swap3A_23], %swap3A_26 {strides = array<i32>} : memref<1x1x256xi32, #tpu.memory_space<vmem>>, vector<1x1x256xi32>,
    return
  }
  func.func @transform_0(%arg0: i32) -> (i32, i32) {
    %c0_i32 = arith.constant 0 : i32
    %c0_i32_0 = arith.constant 0 : i32
    return %arg0, %c0_i32 : i32, i32
  }
  func.func @transform_1(%arg0: i32) -> (i32, i32) {
    %c0_i32 = arith.constant 0 : i32
    %c0_i32_0 = arith.constant 0 : i32
    %c0_i32_1 = arith.constant 0 : i32
    return %c0_i32, %c0_i32_0 : i32, i32
  }
  func.func @transform_2(%arg0: i32) -> (i32, i32, i32) {
    %c0_i32 = arith.constant 0 : i32
    %c0_i32_0 = arith.constant 0 : i32
    %c0_i32_1 = arith.constant 0 : i32
    return %arg0, %c0_i32, %c0_i32_0 : i32, i32, i32
  }
}

module attributes {stable_mosaic.version = 14 : i64} {
  func.func @_enc_dist_body(%arg0: i32, %arg1: memref<256x768xf32, #tpu.memory_space<vmem>>, %arg2: memref<768x256xf32, #tpu.memory_space<vmem>>, %arg3: memref<1x256xf32, #tpu.memory_space<vmem>>, %arg4: memref<8192x256xf32, #tpu.memory_space<vmem>>, %arg5: memref<1x1x256xi32, #tpu.memory_space<vmem>>) attributes {dimension_semantics = [#tpu.dimension_semantics<arbitrary>], iteration_bounds = array<i64: 16>, scalar_prefetch = 0 : i64, scratch_operands = 0 : i64, tpu.core_type = #tpu.core_type<tc>, window_params = [{transform_indices = @transform_0, window_bounds = array<i64: 256, 768>}, {pipeline_mode = #tpu.pipeline_mode<synchronous>, transform_indices = @transform_1, window_bounds = array<i64: 768, 256>}, {pipeline_mode = #tpu.pipeline_mode<synchronous>, transform_indices = @transform_2, window_bounds = array<i64: 1, 256>}, {pipeline_mode = #tpu.pipeline_mode<synchronous>, transform_indices = @transform_3, window_bounds = array<i64: 8192, 256>}, {transform_indices = @transform_4, window_bounds = array<i64: 1, 1, 256>}]} {
    %get3A = arith.constant 0 : index
    %get3A_0 = arith.constant 0 : index
    %get3A_1 = vector.load %arg1[%get3A, %get3A_0] : memref<256x768xf32, #tpu.memory_space<vmem>>, vector<256x768xf32>
    %get3A_2 = arith.constant 0 : index
    %get3A_3 = arith.constant 0 : index
    %get3A_4 = vector.load %arg2[%get3A_2, %get3A_3] : memref<768x256xf32, #tpu.memory_space<vmem>>, vector<768x256xf32>
    %dot_general3A = arith.constant dense<0.000000e+00> : vector<256x256xf32>
    %dot_general3A_5 = tpu.matmul %get3A_1, %get3A_4, %dot_general3A {dimension_numbers = #tpu.dot_dimension_numbers<[1], [0], [0], [1], [0, 0, 1, 1], [], []>, transpose_lhs_hint = false} : vector<256x768xf32>, vector<768x256xf32>, vector<256x256xf32> -> vector<256x256xf32>
    %get3A_6 = arith.constant 0 : index
    %get3A_7 = arith.constant 0 : index
    %get3A_8 = vector.load %arg3[%get3A_6, %get3A_7] : memref<1x256xf32, #tpu.memory_space<vmem>>, vector<1x256xf32>
    %add3A = vector.broadcast %get3A_8 : vector<1x256xf32> to vector<256x256xf32>
    %add3A_9 = arith.addf %dot_general3A_5, %add3A : vector<256x256xf32>
    %mul3A = arith.mulf %add3A_9, %add3A_9 : vector<256x256xf32>
    %reduce_sum3A = arith.constant dense<0.000000e+00> : vector<256xf32>
    %reduce_sum3A_10 = vector.multi_reduction <add>, %mul3A, %reduce_sum3A [1] : vector<256x256xf32> to vector<256xf32>
    %broadcast_in_dim3A = vector.shape_cast %reduce_sum3A_10 : vector<256xf32> to vector<256x1xf32>
    %get3A_11 = arith.constant 0 : index
    %get3A_12 = arith.constant 0 : index
    %get3A_13 = vector.load %arg4[%get3A_11, %get3A_12] : memref<8192x256xf32, #tpu.memory_space<vmem>>, vector<8192x256xf32>
    %dot_general3A_14 = arith.constant dense<0.000000e+00> : vector<256x8192xf32>
    %dot_general3A_15 = tpu.matmul %add3A_9, %get3A_13, %dot_general3A_14 {dimension_numbers = #tpu.dot_dimension_numbers<[1], [1], [0], [0], [0, 0, 1, 0], [], []>, transpose_lhs_hint = false} : vector<256x256xf32>, vector<8192x256xf32>, vector<256x8192xf32> -> vector<256x8192xf32>
    %get3A_16 = arith.constant 0 : index
    %get3A_17 = arith.constant 0 : index
    %get3A_18 = vector.load %arg4[%get3A_16, %get3A_17] : memref<8192x256xf32, #tpu.memory_space<vmem>>, vector<8192x256xf32>
    %get3A_19 = arith.constant 0 : index
    %get3A_20 = arith.constant 0 : index
    %get3A_21 = vector.load %arg4[%get3A_19, %get3A_20] : memref<8192x256xf32, #tpu.memory_space<vmem>>, vector<8192x256xf32>
    %mul3A_22 = arith.mulf %get3A_18, %get3A_21 : vector<8192x256xf32>
    %reduce_sum3A_23 = arith.constant dense<0.000000e+00> : vector<8192xf32>
    %reduce_sum3A_24 = vector.multi_reduction <add>, %mul3A_22, %reduce_sum3A_23 [1] : vector<8192x256xf32> to vector<8192xf32>
    %broadcast_in_dim3A_25 = vector.shape_cast %reduce_sum3A_24 : vector<8192xf32> to vector<1x8192xf32>
    %mul3A_26 = arith.constant 2.000000e+00 : f32
    %mul3A_27 = vector.broadcast %mul3A_26 : f32 to vector<256x8192xf32>
    %mul3A_28 = arith.mulf %mul3A_27, %dot_general3A_15 : vector<256x8192xf32>
    %sub3A = vector.broadcast %broadcast_in_dim3A : vector<256x1xf32> to vector<256x8192xf32>
    %sub3A_29 = arith.subf %sub3A, %mul3A_28 : vector<256x8192xf32>
    %add3A_30 = vector.broadcast %broadcast_in_dim3A_25 : vector<1x8192xf32> to vector<256x8192xf32>
    %add3A_31 = arith.addf %sub3A_29, %add3A_30 : vector<256x8192xf32>
    %argmin3A = tpu.reduce_index %add3A_31 {axis = 1 : i32, kind = #tpu.reduction_kind<arg_min>} : vector<256x8192xf32> -> vector<256xi32>
    %swap3A = arith.constant 0 : index
    %swap3A_32 = arith.constant 0 : index
    %swap3A_33 = arith.constant 0 : index
    %swap3A_34 = vector.load %arg5[%swap3A, %swap3A_32, %swap3A_33] : memref<1x1x256xi32, #tpu.memory_space<vmem>>, vector<1x1x256xi32>
    %swap3A_35 = vector.shape_cast %swap3A_34 : vector<1x1x256xi32> to vector<256xi32>
    %swap3A_36 = vector.shape_cast %argmin3A : vector<256xi32> to vector<1x1x256xi32>
    tpu.vector_store %arg5[%swap3A, %swap3A_32, %swap3A_33], %swap3A_36 {strides = array<i32>} : memref<1x1x256xi32, #tpu.memory_space<vmem>>, vector<1x1x256xi32>,
    return
  }
  func.func @transform_0(%arg0: i32) -> (i32, i32) {
    %c0_i32 = arith.constant 0 : i32
    %c0_i32_0 = arith.constant 0 : i32
    return %arg0, %c0_i32 : i32, i32
  }
  func.func @transform_1(%arg0: i32) -> (i32, i32) {
    %c0_i32 = arith.constant 0 : i32
    %c0_i32_0 = arith.constant 0 : i32
    %c0_i32_1 = arith.constant 0 : i32
    return %c0_i32, %c0_i32_0 : i32, i32
  }
  func.func @transform_2(%arg0: i32) -> (i32, i32) {
    %c0_i32 = arith.constant 0 : i32
    %c0_i32_0 = arith.constant 0 : i32
    %c0_i32_1 = arith.constant 0 : i32
    return %c0_i32, %c0_i32_0 : i32, i32
  }
  func.func @transform_3(%arg0: i32) -> (i32, i32) {
    %c0_i32 = arith.constant 0 : i32
    %c0_i32_0 = arith.constant 0 : i32
    %c0_i32_1 = arith.constant 0 : i32
    return %c0_i32, %c0_i32_0 : i32, i32
  }
  func.func @transform_4(%arg0: i32) -> (i32, i32, i32) {
    %c0_i32 = arith.constant 0 : i32
    %c0_i32_0 = arith.constant 0 : i32
    %c0_i32_1 = arith.constant 0 : i32
    return %arg0, %c0_i32, %c0_i32_0 : i32, i32, i32
  }
}

module attributes {stable_mosaic.version = 14 : i64} {
  func.func @_decode_body(%arg0: i32, %arg1: memref<512x256xf32, #tpu.memory_space<vmem>>, %arg2: memref<512x256xf32, #tpu.memory_space<vmem>>, %arg3: memref<512x256xf32, #tpu.memory_space<vmem>>, %arg4: memref<256x256xf32, #tpu.memory_space<vmem>>, %arg5: memref<1x256xf32, #tpu.memory_space<vmem>>, %arg6: memref<512x256xf32, #tpu.memory_space<vmem>>) attributes {dimension_semantics = [#tpu.dimension_semantics<arbitrary>], iteration_bounds = array<i64: 8>, scalar_prefetch = 0 : i64, scratch_operands = 0 : i64, tpu.core_type = #tpu.core_type<tc>, window_params = [{transform_indices = @transform_0, window_bounds = array<i64: 512, 256>}, {transform_indices = @transform_1, window_bounds = array<i64: 512, 256>}, {transform_indices = @transform_2, window_bounds = array<i64: 512, 256>}, {pipeline_mode = #tpu.pipeline_mode<synchronous>, transform_indices = @transform_3, window_bounds = array<i64: 256, 256>}, {pipeline_mode = #tpu.pipeline_mode<synchronous>, transform_indices = @transform_4, window_bounds = array<i64: 1, 256>}, {transform_indices = @transform_5, window_bounds = array<i64: 512, 256>}]} {
    %get3A = arith.constant 0 : index
    %get3A_0 = arith.constant 0 : index
    %get3A_1 = vector.load %arg1[%get3A, %get3A_0] : memref<512x256xf32, #tpu.memory_space<vmem>>, vector<512x256xf32>
    %get3A_2 = arith.constant 0 : index
    %get3A_3 = arith.constant 0 : index
    %get3A_4 = vector.load %arg2[%get3A_2, %get3A_3] : memref<512x256xf32, #tpu.memory_space<vmem>>, vector<512x256xf32>
    %add3A = arith.addf %get3A_1, %get3A_4 : vector<512x256xf32>
    %get3A_5 = arith.constant 0 : index
    %get3A_6 = arith.constant 0 : index
    %get3A_7 = vector.load %arg3[%get3A_5, %get3A_6] : memref<512x256xf32, #tpu.memory_space<vmem>>, vector<512x256xf32>
    %add3A_8 = arith.addf %add3A, %get3A_7 : vector<512x256xf32>
    %get3A_9 = arith.constant 0 : index
    %get3A_10 = arith.constant 0 : index
    %get3A_11 = vector.load %arg4[%get3A_9, %get3A_10] : memref<256x256xf32, #tpu.memory_space<vmem>>, vector<256x256xf32>
    %dot_general3A = arith.constant dense<0.000000e+00> : vector<512x256xf32>
    %dot_general3A_12 = tpu.matmul %add3A_8, %get3A_11, %dot_general3A {dimension_numbers = #tpu.dot_dimension_numbers<[1], [0], [0], [1], [0, 0, 1, 1], [], []>, transpose_lhs_hint = false} : vector<512x256xf32>, vector<256x256xf32>, vector<512x256xf32> -> vector<512x256xf32>
    %get3A_13 = arith.constant 0 : index
    %get3A_14 = arith.constant 0 : index
    %get3A_15 = vector.load %arg5[%get3A_13, %get3A_14] : memref<1x256xf32, #tpu.memory_space<vmem>>, vector<1x256xf32>
    %add3A_16 = vector.broadcast %get3A_15 : vector<1x256xf32> to vector<512x256xf32>
    %add3A_17 = arith.addf %dot_general3A_12, %add3A_16 : vector<512x256xf32>
    %swap3A = arith.constant 0 : index
    %swap3A_18 = arith.constant 0 : index
    %swap3A_19 = vector.load %arg6[%swap3A, %swap3A_18] : memref<512x256xf32, #tpu.memory_space<vmem>>, vector<512x256xf32>
    tpu.vector_store %arg6[%swap3A, %swap3A_18], %add3A_17 {strides = array<i32>} : memref<512x256xf32, #tpu.memory_space<vmem>>, vector<512x256xf32>,
    return
  }
  func.func @transform_0(%arg0: i32) -> (i32, i32) {
    %c0_i32 = arith.constant 0 : i32
    %c0_i32_0 = arith.constant 0 : i32
    return %arg0, %c0_i32 : i32, i32
  }
  func.func @transform_1(%arg0: i32) -> (i32, i32) {
    %c0_i32 = arith.constant 0 : i32
    %c0_i32_0 = arith.constant 0 : i32
    return %arg0, %c0_i32 : i32, i32
  }
  func.func @transform_2(%arg0: i32) -> (i32, i32) {
    %c0_i32 = arith.constant 0 : i32
    %c0_i32_0 = arith.constant 0 : i32
    return %arg0, %c0_i32 : i32, i32
  }
  func.func @transform_3(%arg0: i32) -> (i32, i32) {
    %c0_i32 = arith.constant 0 : i32
    %c0_i32_0 = arith.constant 0 : i32
    %c0_i32_1 = arith.constant 0 : i32
    return %c0_i32, %c0_i32_0 : i32, i32
  }
  func.func @transform_4(%arg0: i32) -> (i32, i32) {
    %c0_i32 = arith.constant 0 : i32
    %c0_i32_0 = arith.constant 0 : i32
    %c0_i32_1 = arith.constant 0 : i32
    return %c0_i32, %c0_i32_0 : i32, i32
  }
  func.func @transform_5(%arg0: i32) -> (i32, i32) {
    %c0_i32 = arith.constant 0 : i32
    %c0_i32_0 = arith.constant 0 : i32
    return %arg0, %c0_i32 : i32, i32
  }
}

</mosaic_0001>

<sc_bundles>
// kernel: kernel.12.cloned.1.call-start
scs
__scs_entry_jumppad:
0x0: {  	(pc) =	sbr.rel $0x88, $3  }
0x1: {  	(tag) =	ssettag $0x0;
	lr =	simm.s32 $0x1  }
0x2: {  	[smem:$0x3F99] =	sst lr;
	_ =	strace $0xD0000000  }
0x3: {  	_ = 	snop  }
0x4: {  	_ = 	snop  }
0x5: {  	_ = 	snop  }
0x6: {  	_ = 	snop  }
0x7: {  	_ = 	snop  }
__scs_overlays_trampoline_lowered:
0x8: {  	[smem:$0x3FA8] =	sst s0  }
0x9: {  	[smem:$0x3FA9] =	sst s1  }
0xa: {  	[smem:$0x3FAA] =	sst s2  }
0xb: {  	[smem:$0x3FAB] =	sst s3  }
0xc: {  	[smem:$0x3FAC] =	sst s4  }
0xd: {  	[smem:$0x3FAD] =	sst s5  }
0xe: {  	[smem:$0x3FAE] =	sst s6  }
0xf: {  	[smem:$0x3FAF] =	sst s7  }
0x10: {  	[smem:$0x3FB0] =	sst s8  }
0x11: {  	[smem:$0x3FB1] =	sst s9;
	s0 =	simm.s32 @!p0 $0x0  }
0x12: {  	s1 =	sld [smem:$0x3F97];
	s0 =	simm.s32 @p0 $0x1  }
0x13: {  	[smem:$0x3FB2] =	sst s0;
	s0 =	simm.s32 @!p1 $0x0  }
0x14: {  	s2 =	sld [smem:$0x3F96];
	s0 =	simm.s32 @p1 $0x1  }
0x15: {  	[smem:$0x3FB3] =	sst s0;
	s0 =	simm.s32 @!p2 $0x0  }
0x16: {  	s3 =	sld [smem:$0x3FDB];
	s0 =	simm.s32 @p2 $0x1  }
0x17: {  	s4 =	simm.s32 $0x1BF5;
	[smem:$0x3FB5] =	sst s0  }
0x18: {  	s0 =	sld [smem:$0x3F98];
	_ =	swait.ge [sflag:s4], $0x0  }
0x19: {  	s7 =	sld [smem:$0x3F99]  }
0x1a: {  	s8 =	sadd.s32 $0xFFFFE003, lr  }
0x1b: {  	s9 =	sadd.s32 $0xFFFFFEF7, lr;
	s5 =	simm.s32 $0xFFFFFFFF;
	p2 =	slt.u32 s8, $0xFFFFF086  }
0x1c: {  	p1 =	slt.u32 s9, $0xF7A;
	s5 =	simm.s32 @!p2 $0x0  }
0x1d: {  	s5 =	simm.s32 @p1 $0x1;
	p0 =	seq.s32 s7, s2  }
0x1e: {  	s7 =	smul.u32 @!p0 $0xF7A, s2;
	p2 =	seq.s32 @!p0 s5, $0x0  }
0x1f: {  	s9 =	smul.u32 $0xF7A, s1;
	s8 =	simm.s32 @!p0 $0x1BF5;
	p2 =	por !p2, p0  }
0x20: {  	[sflag:s8] =	ssyncset.s32 @!p0 $0xFFFFF086;
	s6 =	sadd.s32 @!p0 s3, s7;
	s7 =	simm.s32 @!p0 $0x108  }
0x21: {  	s3 =	sadd.s32 s3, s9;
	s6 =	sadd.s32 @!p0 $0x88, s6;
	s7 =	simm.s32 @p2 $0x1082  }
0x22: {  	[simem:s7], [sflag:s8] =	dma.local @!p0 [hbm:s6], $0xF7A  }
0x23: {  	s9 =	sor.u32 $0xD0000000, s2;
	s6 =	simm.s32 $0x108;
	_ =	swait.ge @!p0 [sflag:s8], $0x0  }
0x24: {  	s3 =	sadd.s32 $0x88, s3;
	s6 =	simm.s32 @!p1 $0x1082;
	[sflag:s4] =	ssyncset.s32 $0xFFFFF086  }
0x25: {  	[simem:s6], [sflag:s4] =	dma.local [hbm:s3], $0xF7A  }
0x26: {  	[smem:$0x3F99] =	sst s1;
	(tag) =	ssettag s2;
	_ =	strace s9  }
0x27: {  	s1 =	sld [smem:$0x3FA9]  }
0x28: {  	s2 =	sld [smem:$0x3FAA]  }
0x29: {  	s4 =	sld [smem:$0x3FAC]  }
0x2a: {  	p0 =	seq.s32 s5, $0x0;
	s5 =	sld [smem:$0x3FAD]  }
0x2b: {  	s6 =	sld [smem:$0x3FAE]  }
0x2c: {  	s7 =	sld [smem:$0x3FAF]  }
0x2d: {  	s3 =	simm.s32 $0x108;
	s8 =	sld [smem:$0x3FB0]  }
0x2e: {  	s3 =	simm.s32 @!p0 $0x1082;
	s9 =	sld [smem:$0x3FB1]  }
0x2f: {  	lr =	sadd.s32 s0, s3;
	s0 =	sld [smem:$0x3FA8]  }
0x30: {  	s3 =	sld [smem:$0x3FAB]  }
0x31: {  	[smem:$0x3FB4] =	sst s10  }
0x32: {  	s10 =	sld [smem:$0x3FB2];
	_ =	sdelay $0x3  }
0x33: {  	p0 =	seq.s32 s10, $0x1;
	s10 =	sld [smem:$0x3FB4];
	_ =	sdelay $0x3  }
0x34: {  	[smem:$0x3FB4] =	sst s10  }
0x35: {  	s10 =	sld [smem:$0x3FB3];
	_ =	sdelay $0x3  }
0x36: {  	p1 =	seq.s32 s10, $0x1;
	s10 =	sld [smem:$0x3FB4];
	_ =	sdelay $0x3  }
0x37: {  	[smem:$0x3FB4] =	sst s10  }
0x38: {  	s10 =	sld [smem:$0x3FB5]  }
0x39: {  	_ = 	snop;
	(pc) =	sbr.ind lr, $3  }
0x3a: {  	_ = 	snop  }
0x3b: {  	_ = 	snop  }
0x3c: {  	p2 =	seq.s32 s10, $0x1;
	s10 =	sld [smem:$0x3FB4]  }
0x3d: {  	_ =	shalt  }
0x3e: {  	_ =	shalt  }
0x3f: {  	_ =	shalt  }
0x40: {  	_ =	shalt  }
0x41: {  	_ =	shalt  }
0x42: {  	_ =	shalt  }
0x43: {  	_ =	shalt  }
0x44: {  	_ =	shalt  }
0x45: {  	_ =	shalt  }
0x46: {  	_ =	shalt  }
0x47: {  	_ =	shalt  }
0x48: {  	_ =	shalt  }
0x49: {  	_ =	shalt  }
0x4a: {  	_ =	shalt  }
0x4b: {  	_ =	shalt  }
0x4c: {  	_ =	shalt  }
0x4d: {  	_ =	shalt  }
0x4e: {  	_ =	shalt  }
0x4f: {  	_ =	shalt  }
0x50: {  	_ =	shalt  }
0x51: {  	_ =	shalt  }
0x52: {  	_ =	shalt  }
0x53: {  	_ =	shalt  }
0x54: {  	_ =	shalt  }
0x55: {  	_ =	shalt  }
0x56: {  	_ =	shalt  }
0x57: {  	_ =	shalt  }
0x58: {  	_ =	shalt  }
0x59: {  	_ =	shalt  }
0x5a: {  	_ =	shalt  }
0x5b: {  	_ =	shalt  }
0x5c: {  	_ =	shalt  }
0x5d: {  	_ =	shalt  }
0x5e: {  	_ =	shalt  }
0x5f: {  	_ =	shalt  }
0x60: {  	_ =	shalt  }
0x61: {  	_ =	shalt  }
0x62: {  	_ =	shalt  }
0x63: {  	_ =	shalt  }
0x64: {  	_ =	shalt  }
0x65: {  	_ =	shalt  }
0x66: {  	_ =	shalt  }
0x67: {  	_ =	shalt  }
0x68: {  	_ =	shalt  }
0x69: {  	_ =	shalt  }
0x6a: {  	_ =	shalt  }
0x6b: {  	_ =	shalt  }
0x6c: {  	_ =	shalt  }
0x6d: {  	_ =	shalt  }
0x6e: {  	_ =	shalt  }
0x6f: {  	_ =	shalt  }
0x70: {  	_ =	shalt  }
0x71: {  	_ =	shalt  }
0x72: {  	_ =	shalt  }
0x73: {  	_ =	shalt  }
0x74: {  	_ =	shalt  }
0x75: {  	_ =	shalt  }
0x76: {  	_ =	shalt  }
0x77: {  	_ =	shalt  }
0x78: {  	_ =	shalt  }
0x79: {  	_ =	shalt  }
0x7a: {  	_ =	shalt  }
0x7b: {  	_ =	shalt  }
0x7c: {  	_ =	shalt  }
0x7d: {  	_ =	shalt  }
0x7e: {  	_ =	shalt  }
0x7f: {  	_ =	shalt  }
0x80: {  	_ =	shalt  }
0x81: {  	_ =	shalt  }
0x82: {  	_ =	shalt  }
0x83: {  	_ =	shalt  }
0x84: {  	_ =	shalt  }
0x85: {  	_ =	shalt  }
0x86: {  	_ =	shalt  }
0x87: {  	_ =	shalt  }
.Lfunc_end0:
.L_simem_size_0:
called_computation.1_lowered:
.L_overlay_start_0:
0x88: {  	s2 =	sld [smem:$0x3FD9]  }
0x89: {  	s3 =	sld [smem:$0x3FFE];
	_ =	sdelay $0x1  }
0x8a: {  	s1 =	srdreg.scid  }
0x8b: {  	s0 =	sand.u32 $0x1, s1  }
0x8c: {  	s17 =	sshll.u32 s0, $0xA;
	s2 =	sadd.s32 s3, s2  }
0x8d: {  	s2 =	sadd.s32 s2, s17  }
0x8e: {  	[smem:$0x3FC0] =	sst s2  }
0x8f: {  	_ = 	snop  }
0x90: {  	s2 =	sld [smem:$0x3FC5]  }
0x91: {  	s18 =	sld [smem:$0x3FD0];
	(tm) =	ssettm $0x1  }
0x92: {  	s4 =	sld [smem:$0x3FFB];
	_ =	sdelay $0x3  }
0x93: {  	_ =	strace s4  }
0x94: {  	s4 =	sld [smem:$0x3FFC];
	_ =	sdelay $0x3  }
0x95: {  	_ =	strace s4  }
0x96: {  	s4 =	sld [smem:$0x3FFD];
	_ =	sdelay $0x3  }
0x97: {  	_ =	strace s4  }
0x98: {  	_ =	strace $0x8FFFFFFF  }
0x99: {  	s19 =	sld [smem:$0x3FDB];
	_ =	sdelay $0x1  }
0x9a: {  	s5 =	simm.s32 $_scs_section_size  }
0x9b: {  	s6 =	simm.s32 $_size__tile_overlayer_lowered;
	s7 =	simm.s32 $_tile_overlayer_lowered  }
0x9c: {  	s22 =	simm.s32 $0x1BFF;
	s21 =	sshll.u32 s7, $0x1;
	s4 =	sadd.s32 s5, s19  }
0x9d: {  	s8 =	simm.s32 $0x0;
	s20 =	sshll.u32 s6, $0x1;
	s6 =	sadd.s32 s21, s4  }
0x9e: {  	[timem:s8], [sflag:s22] =	dma.local [hbm:s6], s20  }
0x9f: {  	_ =	swait.ge [sflag:s22], s20  }
0xa0: {  	s5 =	ssub.s32 $0x0, s20;
	[sflag:s22] =	ssyncset.done $0x0  }
0xa1: {  	[sflag:s22] =	ssyncadd.s32 s5;
	_ =	sdelay $0x1  }
0xa2: {  	s23 =	simm.s32 $0x1B8B  }
0xa3: {  	_ =	swait.ge [sflag:s23], $0x1  }
0xa4: {  	[sflag:s23] =	ssyncset.done $0x0  }
0xa5: {  	s25 =	simm.s32 $0x1B8E;
	s24 =	sld [smem:$0x3FFE];
	[sflag:s23] =	ssyncadd.s32 $0xFFFFFFFF  }
0xa6: {  	s26 =	simm.s32 $execute0_lowered;
	[smem:$0x3FD2] =	sst s25  }
0xa7: {  	s6 =	sshll.u32 s26, $0x1;
	_ =	strace $0x80000049;
	[dreg:$0x1] =	wrdreg $0xFFFFFFFF  }
0xa8: {  	s28 =	simm.s32 $_size_execute0_lowered;
	s4 =	sadd.s32 s4, s6;
	[dreg:$0x0] =	wrdreg $0x0  }
0xa9: {  	s6 =	sshll.u32 s28, $0x1;
	[dreg:$0x2] =	wrdreg s4  }
0xaa: {  	[dreg:$0x3] =	wrdreg s6  }
0xab: {  	[dreg:$0x4] =	wrdreg $0xC0  }
0xac: {  	_ =	task [dreg:s8], $0x5FFFF  }
0xad: {  	[dreg:$0x1] =	wrdreg $0xFFFFFFFF  }
0xae: {  	[dreg:$0x0] =	wrdreg $0x60  }
0xaf: {  	[dreg:$0x2] =	wrdreg s2  }
0xb0: {  	[dreg:$0x3] =	wrdreg s18  }
0xb1: {  	[dreg:$0x4] =	wrdreg s24  }
0xb2: {  	[dreg:$0x5] =	wrdreg $0x9  }
0xb3: {  	_ =	task.clear_ibuf [dreg:s8], $0x6FFFF;
	_ =	strace $0x90000049  }
0xb4: {  	s29 =	simm.s32 $0x9;
	_ =	strace $0x8000004B  }
0xb5: {  	_ =	swait.ge [sflag:s29], $0x1  }
0xb6: {  	[sflag:s29] =	ssyncadd.s32 $0xFFFFFFFF  }
0xb7: {  	_ =	strace $0x9000004B  }
0xb8: {  	_ =	sfence  }
0xb9: {  	s30 =	sld [smem:$0x0];
	_ =	sdelay $0x2  }
0xba: {  	s31 =	sshll.u32 s1, $0xD;
	s1 =	sshrl.u32 s1, $0x2  }
0xbb: {  	s3 =	sand.u32 $0x4000, s31;
	s1 =	sadd.s32 s1, s30  }
0xbc: {  	s0 =	sor.u32 s3, s0;
	s1 =	sshll.u32 s1, $0x11  }
0xbd: {  	s0 =	sor.u32 s1, s0  }
0xbe: {  	s0 =	sadd.s32 $0x8F2B, s0  }
0xbf: {  	[sflag:s0] =	ssyncadd.remote.s32 $0x1  }
0xc0: {  	_ =	sfence.sel $0xFFFF  }
0xc1: {  	[dreg:$0x0] =	wrdreg $0xFFFFFFFF;
	(pc) =	sbr.abs _section_cstart, $3  }
0xc2: {  	[dreg:$0x1] =	wrdreg $0xFFFFFFFF  }
0xc3: {  	_ =	task.clear_ibuf [dreg:s8], $0x2FFFF;
	_ =	strace $0x9FFFFFFF  }
0xc4: {  	(tm) =	ssettm $0x7FFFFFFF  }
0xc5: {  	_ =	shalt  }
tec
execute0_lowered:
.L_overlay_start_1:
0x0: {  	(tag) =	ssettag $0x1  }
0x1: {  	s1 =	rddreg [dreg:$0x0]  }
0x2: {  	s4 =	rddreg [dreg:$0x1]  }
0x3: {  	s5 =	rddreg [dreg:$0x2];
	s3 =	srdreg.scid  }
0x4: {  	s0 =	rddreg [dreg:$0x3];
	s2 =	stileid.u32;
	s10 =	simm.s32 $0x1080  }
0x5: {  	s11 =	simm.s32 $0x1880;
	s12 =	simm.s32 $0x2080;
	s13 =	simm.s32 $0x2880  }
0x6: {  	s14 =	simm.s32 $0x3080;
	s15 =	simm.s32 $0x3880;
	s16 =	simm.s32 $0x4080  }
0x7: {  	s17 =	simm.s32 $0x4880;
	s18 =	simm.s32 $0x5080;
	s19 =	simm.s32 $0x5880  }
0x8: {  	s20 =	simm.s32 $0x6080;
	s21 =	simm.s32 $0x6880;
	s22 =	simm.s32 $0x7080  }
0x9: {  	s23 =	simm.s32 $0x7880;
	s24 =	simm.s32 $0x1;
	s6 =	sand.u32 $0x1, s3  }
0xa: {  	s3 =	simm.s32 $0x0;
	s7 =	sshll.u32 s2, $0x8;
	s8 =	sshll.u32 s6, $0x7  }
0xb: {  	[smem:$0x7FF] =	sst s3;
	s6 =	ssub.s32 $0x2, s6;
	s7 =	sor.u32 s8, s7  }
0xc: {  	_ =	strace $0x8000004A;
	s9 =	sshrl.u32 s6, $0x1;
	s8 =	sshll.u32 s7, $0x5  }
0xd: {  	v2 =	vlaneseq.u32;
	s6 =	ssub.s32 s6, s9;
	s7 =	sshrl.u32 s7, $0x3;
	s9 =	simm.s32 $0x880  }
0xe: {  	vm0 =	vmmov $0xffff;
	v1 =	vshrl.u32 v2, $0x3;
	s5 =	sadd.s32 s8, s5;
	s4 =	sadd.s32 s4, s7;
	s6 =	smax.u32 s6, $0x1  }
0xf: {  	v0 =	vand.u32 $0x7, v2;
	v2 =	vor.u32 $0x8, v2;
	v1 =	vmul.u32 $0x8, v1;
	s7 =	simm.s32 $0x2;
	s8 =	simm.s32 $0x80;
	s5 =	sadd.s32 $0x23800, s5  }
.LBB2_1:
0x10: {  	[tilespmem:s3], [sflag:$0x2] =	stream.linear.gather [hbm4b:s4+s3], $0x80, $0x38;
	[tilespmem:$0x8080] =	vst v63  }
0x11: {  	_ =	swait.ge [sflag:s7], $0x80  }
0x12: {  	[sflag:s7] =	ssyncset.done $0x0  }
0x13: {  	[sflag:s7] =	ssyncadd.s32 $0xFFFFFF80  }
0x14: {  	v3 =	vld [tilespmem:$0x0];
	_ =	sdelay $0x4  }
0x15: {  	v4 =	vshll.u32 v3, $0x1  }
0x16: {  	v3 =	vand.u32 $0x7, v3;
	v4 =	vand.u32 $0xFFFFFFF0, v4  }
0x17: {  	v3 =	vor.u32 v3, v4  }
0x18: {  	v4 =	vperm.xlane v3, v0;
	_ =	sdelay $0x1  }
0x19: {  	v3 =	vperm.xlane v3, v2;
	v4 =	vadd.s32 v1, v4;
	_ =	sdelay $0x1  }
0x1a: {  	v3 =	vadd.s32 v1, v3;
	_ =	sdelay $0x2  }
0x1b: {  	[tilespmem:s8], [sflag:$0x1] =	stream.indirect_vreg.gather [hbm4b:s1+s3], $0x80, v4, vm0, $0xb8;
	[tilespmem:$0x8080] =	vst v63  }
0x1c: {  	_ = 	snop  }
0x1d: {  	[tilespmem:s9], [sflag:$0x1] =	stream.indirect_vreg.gather [hbm4b:s1+s3], $0x80, v3, vm0, $0xb8;
	[tilespmem:$0x8080] =	vst v63  }
0x1e: {  	v3 =	vld [tilespmem:$0x10];
	_ =	sdelay $0x4  }
0x1f: {  	v57 =	vshll.u32 v3, $0x1  }
0x20: {  	v3 =	vand.u32 $0x7, v3;
	v4 =	vand.u32 $0xFFFFFFF0, v57  }
0x21: {  	v3 =	vor.u32 v3, v4  }
0x22: {  	v4 =	vperm.xlane v3, v0;
	_ =	sdelay $0x1  }
0x23: {  	v3 =	vperm.xlane v3, v2;
	v4 =	vadd.s32 v1, v4;
	_ =	sdelay $0x1  }
0x24: {  	v3 =	vadd.s32 v1, v3;
	_ =	sdelay $0x2  }
0x25: {  	[tilespmem:s10], [sflag:$0x1] =	stream.indirect_vreg.gather [hbm4b:s1+s3], $0x80, v4, vm0, $0xb8;
	[tilespmem:$0x8080] =	vst v63  }
0x26: {  	_ = 	snop  }
0x27: {  	[tilespmem:s11], [sflag:$0x1] =	stream.indirect_vreg.gather [hbm4b:s1+s3], $0x80, v3, vm0, $0xb8;
	[tilespmem:$0x8080] =	vst v63  }
0x28: {  	v3 =	vld [tilespmem:$0x20];
	_ =	sdelay $0x4  }
0x29: {  	v58 =	vshll.u32 v3, $0x1  }
0x2a: {  	v3 =	vand.u32 $0x7, v3;
	v4 =	vand.u32 $0xFFFFFFF0, v58  }
0x2b: {  	v3 =	vor.u32 v3, v4  }
0x2c: {  	v4 =	vperm.xlane v3, v0;
	_ =	sdelay $0x1  }
0x2d: {  	v3 =	vperm.xlane v3, v2;
	v4 =	vadd.s32 v1, v4;
	_ =	sdelay $0x1  }
0x2e: {  	v3 =	vadd.s32 v1, v3;
	_ =	sdelay $0x2  }
0x2f: {  	[tilespmem:s12], [sflag:$0x1] =	stream.indirect_vreg.gather [hbm4b:s1+s3], $0x80, v4, vm0, $0xb8;
	[tilespmem:$0x8080] =	vst v63  }
0x30: {  	_ = 	snop  }
0x31: {  	[tilespmem:s13], [sflag:$0x1] =	stream.indirect_vreg.gather [hbm4b:s1+s3], $0x80, v3, vm0, $0xb8;
	[tilespmem:$0x8080] =	vst v63  }
0x32: {  	v3 =	vld [tilespmem:$0x30];
	_ =	sdelay $0x4  }
0x33: {  	v59 =	vshll.u32 v3, $0x1  }
0x34: {  	v3 =	vand.u32 $0x7, v3;
	v4 =	vand.u32 $0xFFFFFFF0, v59  }
0x35: {  	v3 =	vor.u32 v3, v4  }
0x36: {  	v4 =	vperm.xlane v3, v0;
	_ =	sdelay $0x1  }
0x37: {  	v3 =	vperm.xlane v3, v2;
	v4 =	vadd.s32 v1, v4;
	_ =	sdelay $0x1  }
0x38: {  	v3 =	vadd.s32 v1, v3;
	_ =	sdelay $0x2  }
0x39: {  	[tilespmem:s14], [sflag:$0x1] =	stream.indirect_vreg.gather [hbm4b:s1+s3], $0x80, v4, vm0, $0xb8;
	[tilespmem:$0x8080] =	vst v63  }
0x3a: {  	_ = 	snop  }
0x3b: {  	[tilespmem:s15], [sflag:$0x1] =	stream.indirect_vreg.gather [hbm4b:s1+s3], $0x80, v3, vm0, $0xb8;
	[tilespmem:$0x8080] =	vst v63  }
0x3c: {  	v3 =	vld [tilespmem:$0x40];
	_ =	sdelay $0x4  }
0x3d: {  	v60 =	vshll.u32 v3, $0x1  }
0x3e: {  	v3 =	vand.u32 $0x7, v3;
	v4 =	vand.u32 $0xFFFFFFF0, v60  }
0x3f: {  	v3 =	vor.u32 v3, v4  }
0x40: {  	v4 =	vperm.xlane v3, v0;
	_ =	sdelay $0x1  }
0x41: {  	v3 =	vperm.xlane v3, v2;
	v4 =	vadd.s32 v1, v4;
	_ =	sdelay $0x1  }
0x42: {  	v3 =	vadd.s32 v1, v3;
	_ =	sdelay $0x2  }
0x43: {  	[tilespmem:s16], [sflag:$0x1] =	stream.indirect_vreg.gather [hbm4b:s1+s3], $0x80, v4, vm0, $0xb8;
	[tilespmem:$0x8080] =	vst v63  }
0x44: {  	_ = 	snop  }
0x45: {  	[tilespmem:s17], [sflag:$0x1] =	stream.indirect_vreg.gather [hbm4b:s1+s3], $0x80, v3, vm0, $0xb8;
	[tilespmem:$0x8080] =	vst v63  }
0x46: {  	v3 =	vld [tilespmem:$0x50];
	_ =	sdelay $0x4  }
0x47: {  	v61 =	vshll.u32 v3, $0x1  }
0x48: {  	v3 =	vand.u32 $0x7, v3;
	v4 =	vand.u32 $0xFFFFFFF0, v61  }
0x49: {  	v3 =	vor.u32 v3, v4  }
0x4a: {  	v4 =	vperm.xlane v3, v0;
	_ =	sdelay $0x1  }
0x4b: {  	v3 =	vperm.xlane v3, v2;
	v4 =	vadd.s32 v1, v4;
	_ =	sdelay $0x1  }
0x4c: {  	v3 =	vadd.s32 v1, v3;
	_ =	sdelay $0x2  }
0x4d: {  	[tilespmem:s18], [sflag:$0x1] =	stream.indirect_vreg.gather [hbm4b:s1+s3], $0x80, v4, vm0, $0xb8;
	[tilespmem:$0x8080] =	vst v63  }
0x4e: {  	_ = 	snop  }
0x4f: {  	[tilespmem:s19], [sflag:$0x1] =	stream.indirect_vreg.gather [hbm4b:s1+s3], $0x80, v3, vm0, $0xb8;
	[tilespmem:$0x8080] =	vst v63  }
0x50: {  	v3 =	vld [tilespmem:$0x60];
	_ =	sdelay $0x4  }
0x51: {  	v62 =	vshll.u32 v3, $0x1  }
0x52: {  	v3 =	vand.u32 $0x7, v3;
	v4 =	vand.u32 $0xFFFFFFF0, v62  }
0x53: {  	v3 =	vor.u32 v3, v4  }
0x54: {  	v4 =	vperm.xlane v3, v0;
	_ =	sdelay $0x1  }
0x55: {  	v3 =	vperm.xlane v3, v2;
	v4 =	vadd.s32 v1, v4;
	_ =	sdelay $0x1  }
0x56: {  	v3 =	vadd.s32 v1, v3;
	_ =	sdelay $0x2  }
0x57: {  	[tilespmem:s20], [sflag:$0x1] =	stream.indirect_vreg.gather [hbm4b:s1+s3], $0x80, v4, vm0, $0xb8;
	[tilespmem:$0x8080] =	vst v63  }
0x58: {  	_ = 	snop  }
0x59: {  	[tilespmem:s21], [sflag:$0x1] =	stream.indirect_vreg.gather [hbm4b:s1+s3], $0x80, v3, vm0, $0xb8;
	[tilespmem:$0x8080] =	vst v63  }
0x5a: {  	v3 =	vld [tilespmem:$0x70];
	_ =	sdelay $0x4  }
0x5b: {  	v63 =	vshll.u32 v3, $0x1  }
0x5c: {  	v3 =	vand.u32 $0x7, v3;
	v4 =	vand.u32 $0xFFFFFFF0, v63  }
0x5d: {  	v3 =	vor.u32 v3, v4  }
0x5e: {  	v4 =	vperm.xlane v3, v0;
	_ =	sdelay $0x1  }
0x5f: {  	v3 =	vperm.xlane v3, v2;
	v4 =	vadd.s32 v1, v4;
	_ =	sdelay $0x1  }
0x60: {  	v3 =	vadd.s32 v1, v3;
	_ =	sdelay $0x2  }
0x61: {  	[tilespmem:s22], [sflag:$0x1] =	stream.indirect_vreg.gather [hbm4b:s1+s3], $0x80, v4, vm0, $0xb8;
	[tilespmem:$0x8080] =	vst v63  }
0x62: {  	_ = 	snop  }
0x63: {  	[tilespmem:s23], [sflag:$0x1] =	stream.indirect_vreg.gather [hbm4b:s1+s3], $0x80, v3, vm0, $0xb8;
	[tilespmem:$0x8080] =	vst v63  }
0x64: {  	_ =	swait.ge [sflag:s24], $0x8000  }
0x65: {  	p0 =	sne.s32 s6, $0x1;
	[sflag:s24] =	ssyncset.done $0x0  }
.Ltmp0:
0x66: {  	[sflag:s24] =	ssyncadd.s32 $0xFFFF8000;
	(pc) =	sbr.rel @p0 .LBB2_1-.Ltmp0, $4  }
0x67: {  	[hbm4b:s5+s3] =	stream.linear.scatter [tilespmem:s8], [sflag:$0x2], $0x8000, $0x38;
	[tilespmem:$0x8080] =	vst v63  }
0x68: {  	_ =	swait.ge [sflag:s7], $0x8000  }
0x69: {  	[sflag:s7] =	ssyncset.done $0x0  }
0x6a: {  	s6 =	sadd.s32 $0xFFFFFFFF, s6;
	[sflag:s7] =	ssyncadd.s32 $0xFFFF8000  }
0x6b: {  	_ =	sfence.sel $0x180000  }
0x6c: {  	[bflag:$0x0] =	sbarrier.arrive $0xFFFF  }
0x6d: {  	p0 =	sne.s32 s2, $0x0;
	_ =	strace $0x9000004A  }
0x6e: {  	s0 =	sadd.s32 @!p0 $0x100000, s0;
	[bflag:$0x2] =	sbarrier.arrive $0xFFFF  }
0x6f: {  	[sflag:s0] =	ssyncadd.tile.s32 @!p0 $0x1;
	_ =	shalt  }
.Lfunc_end2:
_tile_overlayer_lowered:
.L_overlay_start_2:
0x70: {  	(tag) =	ssettag $0x2  }
0x71: {  	s0 =	rddreg [dreg:$0x0];
	s2 =	stileid.u32  }
0x72: {  	s1 =	rddreg [dreg:$0x1];
	p0 =	sne.s32 s2, $0x0  }
0x73: {  	s3 =	rddreg [dreg:$0x2];
	[bflag:$0x3] =	sbarrier.arrive $0xFFFF;
	s2 =	simm.s32 @!p0 $0x1C02  }
0x74: {  	[timem:s3], [sflag:s2] =	dma.local @!p0 [hbm:s0], s1  }
0x75: {  	s0 =	simm.s32 @!p0 $0x2  }
0x76: {  	_ =	swait.ge @!p0 [sflag:s0], s1  }
0x77: {  	s1 =	ssub.s32 @!p0 $0x0, s1;
	[sflag:s0] =	ssyncset.done @!p0 $0x0  }
0x78: {  	[sflag:s0] =	ssyncadd.s32 @!p0 s1  }
0x79: {  	[bflag:$0x3] =	sbarrier.arrive $0xFFFF  }
0x7a: {  	_ =	shalt  }

// kernel: kernel.15.cloned.1.call-start
scs
__scs_entry_jumppad:
0x0: {  	(pc) =	sbr.rel $0x88, $3  }
0x1: {  	(tag) =	ssettag $0x0;
	lr =	simm.s32 $0x1  }
0x2: {  	[smem:$0x3F99] =	sst lr;
	_ =	strace $0xD0000000  }
0x3: {  	_ = 	snop  }
0x4: {  	_ = 	snop  }
0x5: {  	_ = 	snop  }
0x6: {  	_ = 	snop  }
0x7: {  	_ = 	snop  }
__scs_overlays_trampoline_lowered:
0x8: {  	[smem:$0x3FA8] =	sst s0  }
0x9: {  	[smem:$0x3FA9] =	sst s1  }
0xa: {  	[smem:$0x3FAA] =	sst s2  }
0xb: {  	[smem:$0x3FAB] =	sst s3  }
0xc: {  	[smem:$0x3FAC] =	sst s4  }
0xd: {  	[smem:$0x3FAD] =	sst s5  }
0xe: {  	[smem:$0x3FAE] =	sst s6  }
0xf: {  	[smem:$0x3FAF] =	sst s7  }
0x10: {  	[smem:$0x3FB0] =	sst s8  }
0x11: {  	[smem:$0x3FB1] =	sst s9;
	s0 =	simm.s32 @!p0 $0x0  }
0x12: {  	s1 =	sld [smem:$0x3F97];
	s0 =	simm.s32 @p0 $0x1  }
0x13: {  	[smem:$0x3FB2] =	sst s0;
	s0 =	simm.s32 @!p1 $0x0  }
0x14: {  	s2 =	sld [smem:$0x3F96];
	s0 =	simm.s32 @p1 $0x1  }
0x15: {  	[smem:$0x3FB3] =	sst s0;
	s0 =	simm.s32 @!p2 $0x0  }
0x16: {  	s3 =	sld [smem:$0x3FDB];
	s0 =	simm.s32 @p2 $0x1  }
0x17: {  	s4 =	simm.s32 $0x1BF5;
	[smem:$0x3FB5] =	sst s0  }
0x18: {  	s0 =	sld [smem:$0x3F98];
	_ =	swait.ge [sflag:s4], $0x0  }
0x19: {  	s7 =	sld [smem:$0x3F99]  }
0x1a: {  	s8 =	sadd.s32 $0xFFFFE003, lr  }
0x1b: {  	s9 =	sadd.s32 $0xFFFFFEF7, lr;
	s5 =	simm.s32 $0xFFFFFFFF;
	p2 =	slt.u32 s8, $0xFFFFF086  }
0x1c: {  	p1 =	slt.u32 s9, $0xF7A;
	s5 =	simm.s32 @!p2 $0x0  }
0x1d: {  	s5 =	simm.s32 @p1 $0x1;
	p0 =	seq.s32 s7, s2  }
0x1e: {  	s7 =	smul.u32 @!p0 $0xF7A, s2;
	p2 =	seq.s32 @!p0 s5, $0x0  }
0x1f: {  	s9 =	smul.u32 $0xF7A, s1;
	s8 =	simm.s32 @!p0 $0x1BF5;
	p2 =	por !p2, p0  }
0x20: {  	[sflag:s8] =	ssyncset.s32 @!p0 $0xFFFFF086;
	s6 =	sadd.s32 @!p0 s3, s7;
	s7 =	simm.s32 @!p0 $0x108  }
0x21: {  	s3 =	sadd.s32 s3, s9;
	s6 =	sadd.s32 @!p0 $0x88, s6;
	s7 =	simm.s32 @p2 $0x1082  }
0x22: {  	[simem:s7], [sflag:s8] =	dma.local @!p0 [hbm:s6], $0xF7A  }
0x23: {  	s9 =	sor.u32 $0xD0000000, s2;
	s6 =	simm.s32 $0x108;
	_ =	swait.ge @!p0 [sflag:s8], $0x0  }
0x24: {  	s3 =	sadd.s32 $0x88, s3;
	s6 =	simm.s32 @!p1 $0x1082;
	[sflag:s4] =	ssyncset.s32 $0xFFFFF086  }
0x25: {  	[simem:s6], [sflag:s4] =	dma.local [hbm:s3], $0xF7A  }
0x26: {  	[smem:$0x3F99] =	sst s1;
	(tag) =	ssettag s2;
	_ =	strace s9  }
0x27: {  	s1 =	sld [smem:$0x3FA9]  }
0x28: {  	s2 =	sld [smem:$0x3FAA]  }
0x29: {  	s4 =	sld [smem:$0x3FAC]  }
0x2a: {  	p0 =	seq.s32 s5, $0x0;
	s5 =	sld [smem:$0x3FAD]  }
0x2b: {  	s6 =	sld [smem:$0x3FAE]  }
0x2c: {  	s7 =	sld [smem:$0x3FAF]  }
0x2d: {  	s3 =	simm.s32 $0x108;
	s8 =	sld [smem:$0x3FB0]  }
0x2e: {  	s3 =	simm.s32 @!p0 $0x1082;
	s9 =	sld [smem:$0x3FB1]  }
0x2f: {  	lr =	sadd.s32 s0, s3;
	s0 =	sld [smem:$0x3FA8]  }
0x30: {  	s3 =	sld [smem:$0x3FAB]  }
0x31: {  	[smem:$0x3FB4] =	sst s10  }
0x32: {  	s10 =	sld [smem:$0x3FB2];
	_ =	sdelay $0x3  }
0x33: {  	p0 =	seq.s32 s10, $0x1;
	s10 =	sld [smem:$0x3FB4];
	_ =	sdelay $0x3  }
0x34: {  	[smem:$0x3FB4] =	sst s10  }
0x35: {  	s10 =	sld [smem:$0x3FB3];
	_ =	sdelay $0x3  }
0x36: {  	p1 =	seq.s32 s10, $0x1;
	s10 =	sld [smem:$0x3FB4];
	_ =	sdelay $0x3  }
0x37: {  	[smem:$0x3FB4] =	sst s10  }
0x38: {  	s10 =	sld [smem:$0x3FB5]  }
0x39: {  	_ = 	snop;
	(pc) =	sbr.ind lr, $3  }
0x3a: {  	_ = 	snop  }
0x3b: {  	_ = 	snop  }
0x3c: {  	p2 =	seq.s32 s10, $0x1;
	s10 =	sld [smem:$0x3FB4]  }
0x3d: {  	_ =	shalt  }
0x3e: {  	_ =	shalt  }
0x3f: {  	_ =	shalt  }
0x40: {  	_ =	shalt  }
0x41: {  	_ =	shalt  }
0x42: {  	_ =	shalt  }
0x43: {  	_ =	shalt  }
0x44: {  	_ =	shalt  }
0x45: {  	_ =	shalt  }
0x46: {  	_ =	shalt  }
0x47: {  	_ =	shalt  }
0x48: {  	_ =	shalt  }
0x49: {  	_ =	shalt  }
0x4a: {  	_ =	shalt  }
0x4b: {  	_ =	shalt  }
0x4c: {  	_ =	shalt  }
0x4d: {  	_ =	shalt  }
0x4e: {  	_ =	shalt  }
0x4f: {  	_ =	shalt  }
0x50: {  	_ =	shalt  }
0x51: {  	_ =	shalt  }
0x52: {  	_ =	shalt  }
0x53: {  	_ =	shalt  }
0x54: {  	_ =	shalt  }
0x55: {  	_ =	shalt  }
0x56: {  	_ =	shalt  }
0x57: {  	_ =	shalt  }
0x58: {  	_ =	shalt  }
0x59: {  	_ =	shalt  }
0x5a: {  	_ =	shalt  }
0x5b: {  	_ =	shalt  }
0x5c: {  	_ =	shalt  }
0x5d: {  	_ =	shalt  }
0x5e: {  	_ =	shalt  }
0x5f: {  	_ =	shalt  }
0x60: {  	_ =	shalt  }
0x61: {  	_ =	shalt  }
0x62: {  	_ =	shalt  }
0x63: {  	_ =	shalt  }
0x64: {  	_ =	shalt  }
0x65: {  	_ =	shalt  }
0x66: {  	_ =	shalt  }
0x67: {  	_ =	shalt  }
0x68: {  	_ =	shalt  }
0x69: {  	_ =	shalt  }
0x6a: {  	_ =	shalt  }
0x6b: {  	_ =	shalt  }
0x6c: {  	_ =	shalt  }
0x6d: {  	_ =	shalt  }
0x6e: {  	_ =	shalt  }
0x6f: {  	_ =	shalt  }
0x70: {  	_ =	shalt  }
0x71: {  	_ =	shalt  }
0x72: {  	_ =	shalt  }
0x73: {  	_ =	shalt  }
0x74: {  	_ =	shalt  }
0x75: {  	_ =	shalt  }
0x76: {  	_ =	shalt  }
0x77: {  	_ =	shalt  }
0x78: {  	_ =	shalt  }
0x79: {  	_ =	shalt  }
0x7a: {  	_ =	shalt  }
0x7b: {  	_ =	shalt  }
0x7c: {  	_ =	shalt  }
0x7d: {  	_ =	shalt  }
0x7e: {  	_ =	shalt  }
0x7f: {  	_ =	shalt  }
0x80: {  	_ =	shalt  }
0x81: {  	_ =	shalt  }
0x82: {  	_ =	shalt  }
0x83: {  	_ =	shalt  }
0x84: {  	_ =	shalt  }
0x85: {  	_ =	shalt  }
0x86: {  	_ =	shalt  }
0x87: {  	_ =	shalt  }
.Lfunc_end0:
.L_simem_size_0:
called_computation.2_lowered:
.L_overlay_start_0:
0x88: {  	s2 =	sld [smem:$0x3FD9]  }
0x89: {  	s3 =	sld [smem:$0x3FFE];
	_ =	sdelay $0x1  }
0x8a: {  	s1 =	srdreg.scid  }
0x8b: {  	s0 =	sand.u32 $0x1, s1  }
0x8c: {  	s17 =	sshll.u32 s0, $0xA;
	s2 =	sadd.s32 s3, s2  }
0x8d: {  	s2 =	sadd.s32 s2, s17  }
0x8e: {  	[smem:$0x3FC0] =	sst s2  }
0x8f: {  	_ = 	snop  }
0x90: {  	s2 =	sld [smem:$0x3FC4]  }
0x91: {  	s18 =	sld [smem:$0x3FD0];
	(tm) =	ssettm $0x1  }
0x92: {  	s4 =	sld [smem:$0x3FFB];
	_ =	sdelay $0x3  }
0x93: {  	_ =	strace s4  }
0x94: {  	s4 =	sld [smem:$0x3FFC];
	_ =	sdelay $0x3  }
0x95: {  	_ =	strace s4  }
0x96: {  	s4 =	sld [smem:$0x3FFD];
	_ =	sdelay $0x3  }
0x97: {  	_ =	strace s4  }
0x98: {  	_ =	strace $0x8FFFFFFF  }
0x99: {  	s19 =	sld [smem:$0x3FDB];
	_ =	sdelay $0x1  }
0x9a: {  	s5 =	simm.s32 $_scs_section_size  }
0x9b: {  	s6 =	simm.s32 $_size__tile_overlayer_lowered;
	s7 =	simm.s32 $_tile_overlayer_lowered  }
0x9c: {  	s22 =	simm.s32 $0x1BFF;
	s21 =	sshll.u32 s7, $0x1;
	s4 =	sadd.s32 s5, s19  }
0x9d: {  	s8 =	simm.s32 $0x0;
	s20 =	sshll.u32 s6, $0x1;
	s6 =	sadd.s32 s21, s4  }
0x9e: {  	[timem:s8], [sflag:s22] =	dma.local [hbm:s6], s20  }
0x9f: {  	_ =	swait.ge [sflag:s22], s20  }
0xa0: {  	s5 =	ssub.s32 $0x0, s20;
	[sflag:s22] =	ssyncset.done $0x0  }
0xa1: {  	[sflag:s22] =	ssyncadd.s32 s5;
	_ =	sdelay $0x1  }
0xa2: {  	s23 =	simm.s32 $0x1B8B  }
0xa3: {  	_ =	swait.ge [sflag:s23], $0x1  }
0xa4: {  	[sflag:s23] =	ssyncset.done $0x0  }
0xa5: {  	s25 =	simm.s32 $0x1B8E;
	s24 =	sld [smem:$0x3FFE];
	[sflag:s23] =	ssyncadd.s32 $0xFFFFFFFF  }
0xa6: {  	s26 =	simm.s32 $execute0_lowered;
	[smem:$0x3FD2] =	sst s25  }
0xa7: {  	s6 =	sshll.u32 s26, $0x1;
	_ =	strace $0x8000004C;
	[dreg:$0x1] =	wrdreg $0xFFFFFFFF  }
0xa8: {  	s28 =	simm.s32 $_size_execute0_lowered;
	s4 =	sadd.s32 s4, s6;
	[dreg:$0x0] =	wrdreg $0x0  }
0xa9: {  	s6 =	sshll.u32 s28, $0x1;
	[dreg:$0x2] =	wrdreg s4  }
0xaa: {  	[dreg:$0x3] =	wrdreg s6  }
0xab: {  	[dreg:$0x4] =	wrdreg $0xC0  }
0xac: {  	_ =	task [dreg:s8], $0x5FFFF  }
0xad: {  	[dreg:$0x1] =	wrdreg $0xFFFFFFFF  }
0xae: {  	[dreg:$0x0] =	wrdreg $0x60  }
0xaf: {  	[dreg:$0x2] =	wrdreg s2  }
0xb0: {  	[dreg:$0x3] =	wrdreg s24  }
0xb1: {  	[dreg:$0x4] =	wrdreg s18  }
0xb2: {  	[dreg:$0x5] =	wrdreg $0x9  }
0xb3: {  	_ =	task.clear_ibuf [dreg:s8], $0x6FFFF;
	_ =	strace $0x9000004C  }
0xb4: {  	s29 =	simm.s32 $0x9;
	_ =	strace $0x8000004E  }
0xb5: {  	_ =	swait.ge [sflag:s29], $0x1  }
0xb6: {  	[sflag:s29] =	ssyncadd.s32 $0xFFFFFFFF  }
0xb7: {  	_ =	strace $0x9000004E  }
0xb8: {  	_ =	sfence  }
0xb9: {  	s30 =	sld [smem:$0x0];
	_ =	sdelay $0x2  }
0xba: {  	s31 =	sshll.u32 s1, $0xD;
	s1 =	sshrl.u32 s1, $0x2  }
0xbb: {  	s3 =	sand.u32 $0x4000, s31;
	s1 =	sadd.s32 s1, s30  }
0xbc: {  	s0 =	sor.u32 s3, s0;
	s1 =	sshll.u32 s1, $0x11  }
0xbd: {  	s0 =	sor.u32 s1, s0  }
0xbe: {  	s0 =	sadd.s32 $0x8F2B, s0  }
0xbf: {  	[sflag:s0] =	ssyncadd.remote.s32 $0x1  }
0xc0: {  	_ =	sfence.sel $0xFFFF  }
0xc1: {  	[dreg:$0x0] =	wrdreg $0xFFFFFFFF;
	(pc) =	sbr.abs _section_cstart, $3  }
0xc2: {  	[dreg:$0x1] =	wrdreg $0xFFFFFFFF  }
0xc3: {  	_ =	task.clear_ibuf [dreg:s8], $0x2FFFF;
	_ =	strace $0x9FFFFFFF  }
0xc4: {  	(tm) =	ssettm $0x7FFFFFFF  }
0xc5: {  	_ =	shalt  }
tec
execute0_lowered:
.L_overlay_start_1:
0x0: {  	(tag) =	ssettag $0x1  }
0x1: {  	s1 =	rddreg [dreg:$0x0]  }
0x2: {  	s4 =	rddreg [dreg:$0x1]  }
0x3: {  	s5 =	rddreg [dreg:$0x2];
	s3 =	srdreg.scid  }
0x4: {  	s0 =	rddreg [dreg:$0x3];
	s2 =	stileid.u32;
	s10 =	simm.s32 $0x1080  }
0x5: {  	s11 =	simm.s32 $0x1880;
	s12 =	simm.s32 $0x2080;
	s13 =	simm.s32 $0x2880  }
0x6: {  	s14 =	simm.s32 $0x3080;
	s15 =	simm.s32 $0x3880;
	s16 =	simm.s32 $0x4080  }
0x7: {  	s17 =	simm.s32 $0x4880;
	s18 =	simm.s32 $0x5080;
	s19 =	simm.s32 $0x5880  }
0x8: {  	s20 =	simm.s32 $0x6080;
	s21 =	simm.s32 $0x6880;
	s22 =	simm.s32 $0x7080  }
0x9: {  	s23 =	simm.s32 $0x7880;
	s24 =	simm.s32 $0x1;
	s6 =	sand.u32 $0x1, s3  }
0xa: {  	s3 =	simm.s32 $0x0;
	s7 =	sshll.u32 s2, $0x8;
	s8 =	sshll.u32 s6, $0x7  }
0xb: {  	[smem:$0x7FF] =	sst s3;
	s6 =	ssub.s32 $0x2, s6;
	s7 =	sor.u32 s8, s7  }
0xc: {  	_ =	strace $0x8000004D;
	s9 =	sshrl.u32 s6, $0x1;
	s8 =	sshrl.u32 s7, $0x3  }
0xd: {  	v2 =	vlaneseq.u32;
	s6 =	ssub.s32 s6, s9;
	s7 =	sshll.u32 s7, $0x5;
	s9 =	simm.s32 $0x880  }
0xe: {  	vm0 =	vmmov $0xffff;
	v1 =	vshrl.u32 v2, $0x3;
	s4 =	sadd.s32 s8, s4;
	s5 =	sadd.s32 s5, s7;
	s6 =	smax.u32 s6, $0x1  }
0xf: {  	v0 =	vand.u32 $0x7, v2;
	v2 =	vor.u32 $0x8, v2;
	v1 =	vmul.u32 $0x8, v1;
	s7 =	simm.s32 $0x2;
	s8 =	simm.s32 $0x80;
	s4 =	sadd.s32 $0x43800, s4  }
.LBB2_1:
0x10: {  	[tilespmem:s3], [sflag:$0x2] =	stream.linear.gather [hbm4b:s4+s3], $0x80, $0x38;
	[tilespmem:$0x8080] =	vst v63  }
0x11: {  	_ =	swait.ge [sflag:s7], $0x80  }
0x12: {  	[sflag:s7] =	ssyncset.done $0x0  }
0x13: {  	[sflag:s7] =	ssyncadd.s32 $0xFFFFFF80  }
0x14: {  	v3 =	vld [tilespmem:$0x0];
	_ =	sdelay $0x4  }
0x15: {  	v4 =	vshll.u32 v3, $0x1  }
0x16: {  	v3 =	vand.u32 $0x7, v3;
	v4 =	vand.u32 $0xFFFFFFF0, v4  }
0x17: {  	v3 =	vor.u32 v3, v4  }
0x18: {  	v4 =	vperm.xlane v3, v0;
	_ =	sdelay $0x1  }
0x19: {  	v3 =	vperm.xlane v3, v2;
	v4 =	vadd.s32 v1, v4;
	_ =	sdelay $0x1  }
0x1a: {  	v3 =	vadd.s32 v1, v3;
	_ =	sdelay $0x2  }
0x1b: {  	[tilespmem:s8], [sflag:$0x1] =	stream.indirect_vreg.gather [hbm4b:s1+s3], $0x80, v4, vm0, $0xb8;
	[tilespmem:$0x8080] =	vst v63  }
0x1c: {  	_ = 	snop  }
0x1d: {  	[tilespmem:s9], [sflag:$0x1] =	stream.indirect_vreg.gather [hbm4b:s1+s3], $0x80, v3, vm0, $0xb8;
	[tilespmem:$0x8080] =	vst v63  }
0x1e: {  	v3 =	vld [tilespmem:$0x10];
	_ =	sdelay $0x4  }
0x1f: {  	v57 =	vshll.u32 v3, $0x1  }
0x20: {  	v3 =	vand.u32 $0x7, v3;
	v4 =	vand.u32 $0xFFFFFFF0, v57  }
0x21: {  	v3 =	vor.u32 v3, v4  }
0x22: {  	v4 =	vperm.xlane v3, v0;
	_ =	sdelay $0x1  }
0x23: {  	v3 =	vperm.xlane v3, v2;
	v4 =	vadd.s32 v1, v4;
	_ =	sdelay $0x1  }
0x24: {  	v3 =	vadd.s32 v1, v3;
	_ =	sdelay $0x2  }
0x25: {  	[tilespmem:s10], [sflag:$0x1] =	stream.indirect_vreg.gather [hbm4b:s1+s3], $0x80, v4, vm0, $0xb8;
	[tilespmem:$0x8080] =	vst v63  }
0x26: {  	_ = 	snop  }
0x27: {  	[tilespmem:s11], [sflag:$0x1] =	stream.indirect_vreg.gather [hbm4b:s1+s3], $0x80, v3, vm0, $0xb8;
	[tilespmem:$0x8080] =	vst v63  }
0x28: {  	v3 =	vld [tilespmem:$0x20];
	_ =	sdelay $0x4  }
0x29: {  	v58 =	vshll.u32 v3, $0x1  }
0x2a: {  	v3 =	vand.u32 $0x7, v3;
	v4 =	vand.u32 $0xFFFFFFF0, v58  }
0x2b: {  	v3 =	vor.u32 v3, v4  }
0x2c: {  	v4 =	vperm.xlane v3, v0;
	_ =	sdelay $0x1  }
0x2d: {  	v3 =	vperm.xlane v3, v2;
	v4 =	vadd.s32 v1, v4;
	_ =	sdelay $0x1  }
0x2e: {  	v3 =	vadd.s32 v1, v3;
	_ =	sdelay $0x2  }
0x2f: {  	[tilespmem:s12], [sflag:$0x1] =	stream.indirect_vreg.gather [hbm4b:s1+s3], $0x80, v4, vm0, $0xb8;
	[tilespmem:$0x8080] =	vst v63  }
0x30: {  	_ = 	snop  }
0x31: {  	[tilespmem:s13], [sflag:$0x1] =	stream.indirect_vreg.gather [hbm4b:s1+s3], $0x80, v3, vm0, $0xb8;
	[tilespmem:$0x8080] =	vst v63  }
0x32: {  	v3 =	vld [tilespmem:$0x30];
	_ =	sdelay $0x4  }
0x33: {  	v59 =	vshll.u32 v3, $0x1  }
0x34: {  	v3 =	vand.u32 $0x7, v3;
	v4 =	vand.u32 $0xFFFFFFF0, v59  }
0x35: {  	v3 =	vor.u32 v3, v4  }
0x36: {  	v4 =	vperm.xlane v3, v0;
	_ =	sdelay $0x1  }
0x37: {  	v3 =	vperm.xlane v3, v2;
	v4 =	vadd.s32 v1, v4;
	_ =	sdelay $0x1  }
0x38: {  	v3 =	vadd.s32 v1, v3;
	_ =	sdelay $0x2  }
0x39: {  	[tilespmem:s14], [sflag:$0x1] =	stream.indirect_vreg.gather [hbm4b:s1+s3], $0x80, v4, vm0, $0xb8;
	[tilespmem:$0x8080] =	vst v63  }
0x3a: {  	_ = 	snop  }
0x3b: {  	[tilespmem:s15], [sflag:$0x1] =	stream.indirect_vreg.gather [hbm4b:s1+s3], $0x80, v3, vm0, $0xb8;
	[tilespmem:$0x8080] =	vst v63  }
0x3c: {  	v3 =	vld [tilespmem:$0x40];
	_ =	sdelay $0x4  }
0x3d: {  	v60 =	vshll.u32 v3, $0x1  }
0x3e: {  	v3 =	vand.u32 $0x7, v3;
	v4 =	vand.u32 $0xFFFFFFF0, v60  }
0x3f: {  	v3 =	vor.u32 v3, v4  }
0x40: {  	v4 =	vperm.xlane v3, v0;
	_ =	sdelay $0x1  }
0x41: {  	v3 =	vperm.xlane v3, v2;
	v4 =	vadd.s32 v1, v4;
	_ =	sdelay $0x1  }
0x42: {  	v3 =	vadd.s32 v1, v3;
	_ =	sdelay $0x2  }
0x43: {  	[tilespmem:s16], [sflag:$0x1] =	stream.indirect_vreg.gather [hbm4b:s1+s3], $0x80, v4, vm0, $0xb8;
	[tilespmem:$0x8080] =	vst v63  }
0x44: {  	_ = 	snop  }
0x45: {  	[tilespmem:s17], [sflag:$0x1] =	stream.indirect_vreg.gather [hbm4b:s1+s3], $0x80, v3, vm0, $0xb8;
	[tilespmem:$0x8080] =	vst v63  }
0x46: {  	v3 =	vld [tilespmem:$0x50];
	_ =	sdelay $0x4  }
0x47: {  	v61 =	vshll.u32 v3, $0x1  }
0x48: {  	v3 =	vand.u32 $0x7, v3;
	v4 =	vand.u32 $0xFFFFFFF0, v61  }
0x49: {  	v3 =	vor.u32 v3, v4  }
0x4a: {  	v4 =	vperm.xlane v3, v0;
	_ =	sdelay $0x1  }
0x4b: {  	v3 =	vperm.xlane v3, v2;
	v4 =	vadd.s32 v1, v4;
	_ =	sdelay $0x1  }
0x4c: {  	v3 =	vadd.s32 v1, v3;
	_ =	sdelay $0x2  }
0x4d: {  	[tilespmem:s18], [sflag:$0x1] =	stream.indirect_vreg.gather [hbm4b:s1+s3], $0x80, v4, vm0, $0xb8;
	[tilespmem:$0x8080] =	vst v63  }
0x4e: {  	_ = 	snop  }
0x4f: {  	[tilespmem:s19], [sflag:$0x1] =	stream.indirect_vreg.gather [hbm4b:s1+s3], $0x80, v3, vm0, $0xb8;
	[tilespmem:$0x8080] =	vst v63  }
0x50: {  	v3 =	vld [tilespmem:$0x60];
	_ =	sdelay $0x4  }
0x51: {  	v62 =	vshll.u32 v3, $0x1  }
0x52: {  	v3 =	vand.u32 $0x7, v3;
	v4 =	vand.u32 $0xFFFFFFF0, v62  }
0x53: {  	v3 =	vor.u32 v3, v4  }
0x54: {  	v4 =	vperm.xlane v3, v0;
	_ =	sdelay $0x1  }
0x55: {  	v3 =	vperm.xlane v3, v2;
	v4 =	vadd.s32 v1, v4;
	_ =	sdelay $0x1  }
0x56: {  	v3 =	vadd.s32 v1, v3;
	_ =	sdelay $0x2  }
0x57: {  	[tilespmem:s20], [sflag:$0x1] =	stream.indirect_vreg.gather [hbm4b:s1+s3], $0x80, v4, vm0, $0xb8;
	[tilespmem:$0x8080] =	vst v63  }
0x58: {  	_ = 	snop  }
0x59: {  	[tilespmem:s21], [sflag:$0x1] =	stream.indirect_vreg.gather [hbm4b:s1+s3], $0x80, v3, vm0, $0xb8;
	[tilespmem:$0x8080] =	vst v63  }
0x5a: {  	v3 =	vld [tilespmem:$0x70];
	_ =	sdelay $0x4  }
0x5b: {  	v63 =	vshll.u32 v3, $0x1  }
0x5c: {  	v3 =	vand.u32 $0x7, v3;
	v4 =	vand.u32 $0xFFFFFFF0, v63  }
0x5d: {  	v3 =	vor.u32 v3, v4  }
0x5e: {  	v4 =	vperm.xlane v3, v0;
	_ =	sdelay $0x1  }
0x5f: {  	v3 =	vperm.xlane v3, v2;
	v4 =	vadd.s32 v1, v4;
	_ =	sdelay $0x1  }
0x60: {  	v3 =	vadd.s32 v1, v3;
	_ =	sdelay $0x2  }
0x61: {  	[tilespmem:s22], [sflag:$0x1] =	stream.indirect_vreg.gather [hbm4b:s1+s3], $0x80, v4, vm0, $0xb8;
	[tilespmem:$0x8080] =	vst v63  }
0x62: {  	_ = 	snop  }
0x63: {  	[tilespmem:s23], [sflag:$0x1] =	stream.indirect_vreg.gather [hbm4b:s1+s3], $0x80, v3, vm0, $0xb8;
	[tilespmem:$0x8080] =	vst v63  }
0x64: {  	_ =	swait.ge [sflag:s24], $0x8000  }
0x65: {  	p0 =	sne.s32 s6, $0x1;
	[sflag:s24] =	ssyncset.done $0x0  }
.Ltmp0:
0x66: {  	[sflag:s24] =	ssyncadd.s32 $0xFFFF8000;
	(pc) =	sbr.rel @p0 .LBB2_1-.Ltmp0, $4  }
0x67: {  	[hbm4b:s5+s3] =	stream.linear.scatter [tilespmem:s8], [sflag:$0x2], $0x8000, $0x38;
	[tilespmem:$0x8080] =	vst v63  }
0x68: {  	_ =	swait.ge [sflag:s7], $0x8000  }
0x69: {  	[sflag:s7] =	ssyncset.done $0x0  }
0x6a: {  	s6 =	sadd.s32 $0xFFFFFFFF, s6;
	[sflag:s7] =	ssyncadd.s32 $0xFFFF8000  }
0x6b: {  	_ =	sfence.sel $0x180000  }
0x6c: {  	[bflag:$0x0] =	sbarrier.arrive $0xFFFF  }
0x6d: {  	p0 =	sne.s32 s2, $0x0;
	_ =	strace $0x9000004D  }
0x6e: {  	s0 =	sadd.s32 @!p0 $0x100000, s0;
	[bflag:$0x2] =	sbarrier.arrive $0xFFFF  }
0x6f: {  	[sflag:s0] =	ssyncadd.tile.s32 @!p0 $0x1;
	_ =	shalt  }
.Lfunc_end2:
_tile_overlayer_lowered:
.L_overlay_start_2:
0x70: {  	(tag) =	ssettag $0x2  }
0x71: {  	s0 =	rddreg [dreg:$0x0];
	s2 =	stileid.u32  }
0x72: {  	s1 =	rddreg [dreg:$0x1];
	p0 =	sne.s32 s2, $0x0  }
0x73: {  	s3 =	rddreg [dreg:$0x2];
	[bflag:$0x3] =	sbarrier.arrive $0xFFFF;
	s2 =	simm.s32 @!p0 $0x1C02  }
0x74: {  	[timem:s3], [sflag:s2] =	dma.local @!p0 [hbm:s0], s1  }
0x75: {  	s0 =	simm.s32 @!p0 $0x2  }
0x76: {  	_ =	swait.ge @!p0 [sflag:s0], s1  }
0x77: {  	s1 =	ssub.s32 @!p0 $0x0, s1;
	[sflag:s0] =	ssyncset.done @!p0 $0x0  }
0x78: {  	[sflag:s0] =	ssyncadd.s32 @!p0 s1  }
0x79: {  	[bflag:$0x3] =	sbarrier.arrive $0xFFFF  }
0x7a: {  	_ =	shalt  }

// kernel: kernel.9.cloned.1.call-start
scs
__scs_entry_jumppad:
0x0: {  	(pc) =	sbr.rel $0x88, $3  }
0x1: {  	(tag) =	ssettag $0x0;
	lr =	simm.s32 $0x1  }
0x2: {  	[smem:$0x3F99] =	sst lr;
	_ =	strace $0xD0000000  }
0x3: {  	_ = 	snop  }
0x4: {  	_ = 	snop  }
0x5: {  	_ = 	snop  }
0x6: {  	_ = 	snop  }
0x7: {  	_ = 	snop  }
__scs_overlays_trampoline_lowered:
0x8: {  	[smem:$0x3FA8] =	sst s0  }
0x9: {  	[smem:$0x3FA9] =	sst s1  }
0xa: {  	[smem:$0x3FAA] =	sst s2  }
0xb: {  	[smem:$0x3FAB] =	sst s3  }
0xc: {  	[smem:$0x3FAC] =	sst s4  }
0xd: {  	[smem:$0x3FAD] =	sst s5  }
0xe: {  	[smem:$0x3FAE] =	sst s6  }
0xf: {  	[smem:$0x3FAF] =	sst s7  }
0x10: {  	[smem:$0x3FB0] =	sst s8  }
0x11: {  	[smem:$0x3FB1] =	sst s9;
	s0 =	simm.s32 @!p0 $0x0  }
0x12: {  	s1 =	sld [smem:$0x3F97];
	s0 =	simm.s32 @p0 $0x1  }
0x13: {  	[smem:$0x3FB2] =	sst s0;
	s0 =	simm.s32 @!p1 $0x0  }
0x14: {  	s2 =	sld [smem:$0x3F96];
	s0 =	simm.s32 @p1 $0x1  }
0x15: {  	[smem:$0x3FB3] =	sst s0;
	s0 =	simm.s32 @!p2 $0x0  }
0x16: {  	s3 =	sld [smem:$0x3FDB];
	s0 =	simm.s32 @p2 $0x1  }
0x17: {  	s4 =	simm.s32 $0x1BF5;
	[smem:$0x3FB5] =	sst s0  }
0x18: {  	s0 =	sld [smem:$0x3F98];
	_ =	swait.ge [sflag:s4], $0x0  }
0x19: {  	s7 =	sld [smem:$0x3F99]  }
0x1a: {  	s8 =	sadd.s32 $0xFFFFE003, lr  }
0x1b: {  	s9 =	sadd.s32 $0xFFFFFEF7, lr;
	s5 =	simm.s32 $0xFFFFFFFF;
	p2 =	slt.u32 s8, $0xFFFFF086  }
0x1c: {  	p1 =	slt.u32 s9, $0xF7A;
	s5 =	simm.s32 @!p2 $0x0  }
0x1d: {  	s5 =	simm.s32 @p1 $0x1;
	p0 =	seq.s32 s7, s2  }
0x1e: {  	s7 =	smul.u32 @!p0 $0xF7A, s2;
	p2 =	seq.s32 @!p0 s5, $0x0  }
0x1f: {  	s9 =	smul.u32 $0xF7A, s1;
	s8 =	simm.s32 @!p0 $0x1BF5;
	p2 =	por !p2, p0  }
0x20: {  	[sflag:s8] =	ssyncset.s32 @!p0 $0xFFFFF086;
	s6 =	sadd.s32 @!p0 s3, s7;
	s7 =	simm.s32 @!p0 $0x108  }
0x21: {  	s3 =	sadd.s32 s3, s9;
	s6 =	sadd.s32 @!p0 $0x88, s6;
	s7 =	simm.s32 @p2 $0x1082  }
0x22: {  	[simem:s7], [sflag:s8] =	dma.local @!p0 [hbm:s6], $0xF7A  }
0x23: {  	s9 =	sor.u32 $0xD0000000, s2;
	s6 =	simm.s32 $0x108;
	_ =	swait.ge @!p0 [sflag:s8], $0x0  }
0x24: {  	s3 =	sadd.s32 $0x88, s3;
	s6 =	simm.s32 @!p1 $0x1082;
	[sflag:s4] =	ssyncset.s32 $0xFFFFF086  }
0x25: {  	[simem:s6], [sflag:s4] =	dma.local [hbm:s3], $0xF7A  }
0x26: {  	[smem:$0x3F99] =	sst s1;
	(tag) =	ssettag s2;
	_ =	strace s9  }
0x27: {  	s1 =	sld [smem:$0x3FA9]  }
0x28: {  	s2 =	sld [smem:$0x3FAA]  }
0x29: {  	s4 =	sld [smem:$0x3FAC]  }
0x2a: {  	p0 =	seq.s32 s5, $0x0;
	s5 =	sld [smem:$0x3FAD]  }
0x2b: {  	s6 =	sld [smem:$0x3FAE]  }
0x2c: {  	s7 =	sld [smem:$0x3FAF]  }
0x2d: {  	s3 =	simm.s32 $0x108;
	s8 =	sld [smem:$0x3FB0]  }
0x2e: {  	s3 =	simm.s32 @!p0 $0x1082;
	s9 =	sld [smem:$0x3FB1]  }
0x2f: {  	lr =	sadd.s32 s0, s3;
	s0 =	sld [smem:$0x3FA8]  }
0x30: {  	s3 =	sld [smem:$0x3FAB]  }
0x31: {  	[smem:$0x3FB4] =	sst s10  }
0x32: {  	s10 =	sld [smem:$0x3FB2];
	_ =	sdelay $0x3  }
0x33: {  	p0 =	seq.s32 s10, $0x1;
	s10 =	sld [smem:$0x3FB4];
	_ =	sdelay $0x3  }
0x34: {  	[smem:$0x3FB4] =	sst s10  }
0x35: {  	s10 =	sld [smem:$0x3FB3];
	_ =	sdelay $0x3  }
0x36: {  	p1 =	seq.s32 s10, $0x1;
	s10 =	sld [smem:$0x3FB4];
	_ =	sdelay $0x3  }
0x37: {  	[smem:$0x3FB4] =	sst s10  }
0x38: {  	s10 =	sld [smem:$0x3FB5]  }
0x39: {  	_ = 	snop;
	(pc) =	sbr.ind lr, $3  }
0x3a: {  	_ = 	snop  }
0x3b: {  	_ = 	snop  }
0x3c: {  	p2 =	seq.s32 s10, $0x1;
	s10 =	sld [smem:$0x3FB4]  }
0x3d: {  	_ =	shalt  }
0x3e: {  	_ =	shalt  }
0x3f: {  	_ =	shalt  }
0x40: {  	_ =	shalt  }
0x41: {  	_ =	shalt  }
0x42: {  	_ =	shalt  }
0x43: {  	_ =	shalt  }
0x44: {  	_ =	shalt  }
0x45: {  	_ =	shalt  }
0x46: {  	_ =	shalt  }
0x47: {  	_ =	shalt  }
0x48: {  	_ =	shalt  }
0x49: {  	_ =	shalt  }
0x4a: {  	_ =	shalt  }
0x4b: {  	_ =	shalt  }
0x4c: {  	_ =	shalt  }
0x4d: {  	_ =	shalt  }
0x4e: {  	_ =	shalt  }
0x4f: {  	_ =	shalt  }
0x50: {  	_ =	shalt  }
0x51: {  	_ =	shalt  }
0x52: {  	_ =	shalt  }
0x53: {  	_ =	shalt  }
0x54: {  	_ =	shalt  }
0x55: {  	_ =	shalt  }
0x56: {  	_ =	shalt  }
0x57: {  	_ =	shalt  }
0x58: {  	_ =	shalt  }
0x59: {  	_ =	shalt  }
0x5a: {  	_ =	shalt  }
0x5b: {  	_ =	shalt  }
0x5c: {  	_ =	shalt  }
0x5d: {  	_ =	shalt  }
0x5e: {  	_ =	shalt  }
0x5f: {  	_ =	shalt  }
0x60: {  	_ =	shalt  }
0x61: {  	_ =	shalt  }
0x62: {  	_ =	shalt  }
0x63: {  	_ =	shalt  }
0x64: {  	_ =	shalt  }
0x65: {  	_ =	shalt  }
0x66: {  	_ =	shalt  }
0x67: {  	_ =	shalt  }
0x68: {  	_ =	shalt  }
0x69: {  	_ =	shalt  }
0x6a: {  	_ =	shalt  }
0x6b: {  	_ =	shalt  }
0x6c: {  	_ =	shalt  }
0x6d: {  	_ =	shalt  }
0x6e: {  	_ =	shalt  }
0x6f: {  	_ =	shalt  }
0x70: {  	_ =	shalt  }
0x71: {  	_ =	shalt  }
0x72: {  	_ =	shalt  }
0x73: {  	_ =	shalt  }
0x74: {  	_ =	shalt  }
0x75: {  	_ =	shalt  }
0x76: {  	_ =	shalt  }
0x77: {  	_ =	shalt  }
0x78: {  	_ =	shalt  }
0x79: {  	_ =	shalt  }
0x7a: {  	_ =	shalt  }
0x7b: {  	_ =	shalt  }
0x7c: {  	_ =	shalt  }
0x7d: {  	_ =	shalt  }
0x7e: {  	_ =	shalt  }
0x7f: {  	_ =	shalt  }
0x80: {  	_ =	shalt  }
0x81: {  	_ =	shalt  }
0x82: {  	_ =	shalt  }
0x83: {  	_ =	shalt  }
0x84: {  	_ =	shalt  }
0x85: {  	_ =	shalt  }
0x86: {  	_ =	shalt  }
0x87: {  	_ =	shalt  }
.Lfunc_end0:
.L_simem_size_0:
called_computation_lowered:
.L_overlay_start_0:
0x88: {  	s2 =	sld [smem:$0x3FD9]  }
0x89: {  	s3 =	sld [smem:$0x3FFE];
	_ =	sdelay $0x1  }
0x8a: {  	s1 =	srdreg.scid  }
0x8b: {  	s0 =	sand.u32 $0x1, s1  }
0x8c: {  	s17 =	sshll.u32 s0, $0xA;
	s2 =	sadd.s32 s3, s2  }
0x8d: {  	s2 =	sadd.s32 s2, s17  }
0x8e: {  	[smem:$0x3FC0] =	sst s2  }
0x8f: {  	_ = 	snop  }
0x90: {  	s2 =	sld [smem:$0x3FC6]  }
0x91: {  	s18 =	sld [smem:$0x3FD0];
	(tm) =	ssettm $0x1  }
0x92: {  	s4 =	sld [smem:$0x3FFB];
	_ =	sdelay $0x3  }
0x93: {  	_ =	strace s4  }
0x94: {  	s4 =	sld [smem:$0x3FFC];
	_ =	sdelay $0x3  }
0x95: {  	_ =	strace s4  }
0x96: {  	s4 =	sld [smem:$0x3FFD];
	_ =	sdelay $0x3  }
0x97: {  	_ =	strace s4  }
0x98: {  	_ =	strace $0x8FFFFFFF  }
0x99: {  	s19 =	sld [smem:$0x3FDB];
	_ =	sdelay $0x1  }
0x9a: {  	s5 =	simm.s32 $_scs_section_size  }
0x9b: {  	s6 =	simm.s32 $_size__tile_overlayer_lowered;
	s7 =	simm.s32 $_tile_overlayer_lowered  }
0x9c: {  	s22 =	simm.s32 $0x1BFF;
	s21 =	sshll.u32 s7, $0x1;
	s4 =	sadd.s32 s5, s19  }
0x9d: {  	s8 =	simm.s32 $0x0;
	s20 =	sshll.u32 s6, $0x1;
	s6 =	sadd.s32 s21, s4  }
0x9e: {  	[timem:s8], [sflag:s22] =	dma.local [hbm:s6], s20  }
0x9f: {  	_ =	swait.ge [sflag:s22], s20  }
0xa0: {  	s5 =	ssub.s32 $0x0, s20;
	[sflag:s22] =	ssyncset.done $0x0  }
0xa1: {  	[sflag:s22] =	ssyncadd.s32 s5;
	_ =	sdelay $0x1  }
0xa2: {  	s23 =	simm.s32 $0x1B8B  }
0xa3: {  	_ =	swait.ge [sflag:s23], $0x1  }
0xa4: {  	[sflag:s23] =	ssyncset.done $0x0  }
0xa5: {  	s25 =	simm.s32 $0x1B8E;
	s24 =	sld [smem:$0x3FFE];
	[sflag:s23] =	ssyncadd.s32 $0xFFFFFFFF  }
0xa6: {  	s26 =	simm.s32 $execute0_lowered;
	[smem:$0x3FD2] =	sst s25  }
0xa7: {  	s6 =	sshll.u32 s26, $0x1;
	_ =	strace $0x80000046;
	[dreg:$0x1] =	wrdreg $0xFFFFFFFF  }
0xa8: {  	s28 =	simm.s32 $_size_execute0_lowered;
	s4 =	sadd.s32 s4, s6;
	[dreg:$0x0] =	wrdreg $0x0  }
0xa9: {  	s6 =	sshll.u32 s28, $0x1;
	[dreg:$0x2] =	wrdreg s4  }
0xaa: {  	[dreg:$0x3] =	wrdreg s6  }
0xab: {  	[dreg:$0x4] =	wrdreg $0xC0  }
0xac: {  	_ =	task [dreg:s8], $0x5FFFF  }
0xad: {  	[dreg:$0x1] =	wrdreg $0xFFFFFFFF  }
0xae: {  	[dreg:$0x0] =	wrdreg $0x60  }
0xaf: {  	[dreg:$0x2] =	wrdreg s2  }
0xb0: {  	[dreg:$0x3] =	wrdreg s18  }
0xb1: {  	[dreg:$0x4] =	wrdreg s24  }
0xb2: {  	[dreg:$0x5] =	wrdreg $0x9  }
0xb3: {  	_ =	task.clear_ibuf [dreg:s8], $0x6FFFF;
	_ =	strace $0x90000046  }
0xb4: {  	s29 =	simm.s32 $0x9;
	_ =	strace $0x80000048  }
0xb5: {  	_ =	swait.ge [sflag:s29], $0x1  }
0xb6: {  	[sflag:s29] =	ssyncadd.s32 $0xFFFFFFFF  }
0xb7: {  	_ =	strace $0x90000048  }
0xb8: {  	_ =	sfence  }
0xb9: {  	s30 =	sld [smem:$0x0];
	_ =	sdelay $0x2  }
0xba: {  	s31 =	sshll.u32 s1, $0xD;
	s1 =	sshrl.u32 s1, $0x2  }
0xbb: {  	s3 =	sand.u32 $0x4000, s31;
	s1 =	sadd.s32 s1, s30  }
0xbc: {  	s0 =	sor.u32 s3, s0;
	s1 =	sshll.u32 s1, $0x11  }
0xbd: {  	s0 =	sor.u32 s1, s0  }
0xbe: {  	s0 =	sadd.s32 $0x8F2B, s0  }
0xbf: {  	[sflag:s0] =	ssyncadd.remote.s32 $0x1  }
0xc0: {  	_ =	sfence.sel $0xFFFF  }
0xc1: {  	[dreg:$0x0] =	wrdreg $0xFFFFFFFF;
	(pc) =	sbr.abs _section_cstart, $3  }
0xc2: {  	[dreg:$0x1] =	wrdreg $0xFFFFFFFF  }
0xc3: {  	_ =	task.clear_ibuf [dreg:s8], $0x2FFFF;
	_ =	strace $0x9FFFFFFF  }
0xc4: {  	(tm) =	ssettm $0x7FFFFFFF  }
0xc5: {  	_ =	shalt  }
tec
execute0_lowered:
.L_overlay_start_1:
0x0: {  	(tag) =	ssettag $0x1  }
0x1: {  	s1 =	rddreg [dreg:$0x0]  }
0x2: {  	s4 =	rddreg [dreg:$0x1]  }
0x3: {  	s5 =	rddreg [dreg:$0x2];
	s3 =	srdreg.scid  }
0x4: {  	s0 =	rddreg [dreg:$0x3];
	s2 =	stileid.u32;
	s10 =	simm.s32 $0x1080  }
0x5: {  	s11 =	simm.s32 $0x1880;
	s12 =	simm.s32 $0x2080;
	s13 =	simm.s32 $0x2880  }
0x6: {  	s14 =	simm.s32 $0x3080;
	s15 =	simm.s32 $0x3880;
	s16 =	simm.s32 $0x4080  }
0x7: {  	s17 =	simm.s32 $0x4880;
	s18 =	simm.s32 $0x5080;
	s19 =	simm.s32 $0x5880  }
0x8: {  	s20 =	simm.s32 $0x6080;
	s21 =	simm.s32 $0x6880;
	s22 =	simm.s32 $0x7080  }
0x9: {  	s23 =	simm.s32 $0x7880;
	s24 =	simm.s32 $0x1;
	s6 =	sand.u32 $0x1, s3  }
0xa: {  	s3 =	simm.s32 $0x0;
	s7 =	sshll.u32 s2, $0x8;
	s8 =	sshll.u32 s6, $0x7  }
0xb: {  	[smem:$0x7FF] =	sst s3;
	s6 =	ssub.s32 $0x2, s6;
	s7 =	sor.u32 s8, s7  }
0xc: {  	_ =	strace $0x80000047;
	s9 =	sshrl.u32 s6, $0x1;
	s8 =	sshll.u32 s7, $0x5  }
0xd: {  	v2 =	vlaneseq.u32;
	s6 =	ssub.s32 s6, s9;
	s7 =	sshrl.u32 s7, $0x3;
	s9 =	simm.s32 $0x880  }
0xe: {  	vm0 =	vmmov $0xffff;
	v1 =	vshrl.u32 v2, $0x3;
	s5 =	sadd.s32 s8, s5;
	s4 =	sadd.s32 s4, s7;
	s6 =	smax.u32 s6, $0x1  }
0xf: {  	v0 =	vand.u32 $0x7, v2;
	v2 =	vor.u32 $0x8, v2;
	v1 =	vmul.u32 $0x8, v1;
	s7 =	simm.s32 $0x2;
	s8 =	simm.s32 $0x80;
	s5 =	sadd.s32 $0x3800, s5  }
.LBB2_1:
0x10: {  	[tilespmem:s3], [sflag:$0x2] =	stream.linear.gather [hbm4b:s4+s3], $0x80, $0x38;
	[tilespmem:$0x8080] =	vst v63  }
0x11: {  	_ =	swait.ge [sflag:s7], $0x80  }
0x12: {  	[sflag:s7] =	ssyncset.done $0x0  }
0x13: {  	[sflag:s7] =	ssyncadd.s32 $0xFFFFFF80  }
0x14: {  	v3 =	vld [tilespmem:$0x0];
	_ =	sdelay $0x4  }
0x15: {  	v4 =	vshll.u32 v3, $0x1  }
0x16: {  	v3 =	vand.u32 $0x7, v3;
	v4 =	vand.u32 $0xFFFFFFF0, v4  }
0x17: {  	v3 =	vor.u32 v3, v4  }
0x18: {  	v4 =	vperm.xlane v3, v0;
	_ =	sdelay $0x1  }
0x19: {  	v3 =	vperm.xlane v3, v2;
	v4 =	vadd.s32 v1, v4;
	_ =	sdelay $0x1  }
0x1a: {  	v3 =	vadd.s32 v1, v3;
	_ =	sdelay $0x2  }
0x1b: {  	[tilespmem:s8], [sflag:$0x1] =	stream.indirect_vreg.gather [hbm4b:s1+s3], $0x80, v4, vm0, $0xb8;
	[tilespmem:$0x8080] =	vst v63  }
0x1c: {  	_ = 	snop  }
0x1d: {  	[tilespmem:s9], [sflag:$0x1] =	stream.indirect_vreg.gather [hbm4b:s1+s3], $0x80, v3, vm0, $0xb8;
	[tilespmem:$0x8080] =	vst v63  }
0x1e: {  	v3 =	vld [tilespmem:$0x10];
	_ =	sdelay $0x4  }
0x1f: {  	v57 =	vshll.u32 v3, $0x1  }
0x20: {  	v3 =	vand.u32 $0x7, v3;
	v4 =	vand.u32 $0xFFFFFFF0, v57  }
0x21: {  	v3 =	vor.u32 v3, v4  }
0x22: {  	v4 =	vperm.xlane v3, v0;
	_ =	sdelay $0x1  }
0x23: {  	v3 =	vperm.xlane v3, v2;
	v4 =	vadd.s32 v1, v4;
	_ =	sdelay $0x1  }
0x24: {  	v3 =	vadd.s32 v1, v3;
	_ =	sdelay $0x2  }
0x25: {  	[tilespmem:s10], [sflag:$0x1] =	stream.indirect_vreg.gather [hbm4b:s1+s3], $0x80, v4, vm0, $0xb8;
	[tilespmem:$0x8080] =	vst v63  }
0x26: {  	_ = 	snop  }
0x27: {  	[tilespmem:s11], [sflag:$0x1] =	stream.indirect_vreg.gather [hbm4b:s1+s3], $0x80, v3, vm0, $0xb8;
	[tilespmem:$0x8080] =	vst v63  }
0x28: {  	v3 =	vld [tilespmem:$0x20];
	_ =	sdelay $0x4  }
0x29: {  	v58 =	vshll.u32 v3, $0x1  }
0x2a: {  	v3 =	vand.u32 $0x7, v3;
	v4 =	vand.u32 $0xFFFFFFF0, v58  }
0x2b: {  	v3 =	vor.u32 v3, v4  }
0x2c: {  	v4 =	vperm.xlane v3, v0;
	_ =	sdelay $0x1  }
0x2d: {  	v3 =	vperm.xlane v3, v2;
	v4 =	vadd.s32 v1, v4;
	_ =	sdelay $0x1  }
0x2e: {  	v3 =	vadd.s32 v1, v3;
	_ =	sdelay $0x2  }
0x2f: {  	[tilespmem:s12], [sflag:$0x1] =	stream.indirect_vreg.gather [hbm4b:s1+s3], $0x80, v4, vm0, $0xb8;
	[tilespmem:$0x8080] =	vst v63  }
0x30: {  	_ = 	snop  }
0x31: {  	[tilespmem:s13], [sflag:$0x1] =	stream.indirect_vreg.gather [hbm4b:s1+s3], $0x80, v3, vm0, $0xb8;
	[tilespmem:$0x8080] =	vst v63  }
0x32: {  	v3 =	vld [tilespmem:$0x30];
	_ =	sdelay $0x4  }
0x33: {  	v59 =	vshll.u32 v3, $0x1  }
0x34: {  	v3 =	vand.u32 $0x7, v3;
	v4 =	vand.u32 $0xFFFFFFF0, v59  }
0x35: {  	v3 =	vor.u32 v3, v4  }
0x36: {  	v4 =	vperm.xlane v3, v0;
	_ =	sdelay $0x1  }
0x37: {  	v3 =	vperm.xlane v3, v2;
	v4 =	vadd.s32 v1, v4;
	_ =	sdelay $0x1  }
0x38: {  	v3 =	vadd.s32 v1, v3;
	_ =	sdelay $0x2  }
0x39: {  	[tilespmem:s14], [sflag:$0x1] =	stream.indirect_vreg.gather [hbm4b:s1+s3], $0x80, v4, vm0, $0xb8;
	[tilespmem:$0x8080] =	vst v63  }
0x3a: {  	_ = 	snop  }
0x3b: {  	[tilespmem:s15], [sflag:$0x1] =	stream.indirect_vreg.gather [hbm4b:s1+s3], $0x80, v3, vm0, $0xb8;
	[tilespmem:$0x8080] =	vst v63  }
0x3c: {  	v3 =	vld [tilespmem:$0x40];
	_ =	sdelay $0x4  }
0x3d: {  	v60 =	vshll.u32 v3, $0x1  }
0x3e: {  	v3 =	vand.u32 $0x7, v3;
	v4 =	vand.u32 $0xFFFFFFF0, v60  }
0x3f: {  	v3 =	vor.u32 v3, v4  }
0x40: {  	v4 =	vperm.xlane v3, v0;
	_ =	sdelay $0x1  }
0x41: {  	v3 =	vperm.xlane v3, v2;
	v4 =	vadd.s32 v1, v4;
	_ =	sdelay $0x1  }
0x42: {  	v3 =	vadd.s32 v1, v3;
	_ =	sdelay $0x2  }
0x43: {  	[tilespmem:s16], [sflag:$0x1] =	stream.indirect_vreg.gather [hbm4b:s1+s3], $0x80, v4, vm0, $0xb8;
	[tilespmem:$0x8080] =	vst v63  }
0x44: {  	_ = 	snop  }
0x45: {  	[tilespmem:s17], [sflag:$0x1] =	stream.indirect_vreg.gather [hbm4b:s1+s3], $0x80, v3, vm0, $0xb8;
	[tilespmem:$0x8080] =	vst v63  }
0x46: {  	v3 =	vld [tilespmem:$0x50];
	_ =	sdelay $0x4  }
0x47: {  	v61 =	vshll.u32 v3, $0x1  }
0x48: {  	v3 =	vand.u32 $0x7, v3;
	v4 =	vand.u32 $0xFFFFFFF0, v61  }
0x49: {  	v3 =	vor.u32 v3, v4  }
0x4a: {  	v4 =	vperm.xlane v3, v0;
	_ =	sdelay $0x1  }
0x4b: {  	v3 =	vperm.xlane v3, v2;
	v4 =	vadd.s32 v1, v4;
	_ =	sdelay $0x1  }
0x4c: {  	v3 =	vadd.s32 v1, v3;
	_ =	sdelay $0x2  }
0x4d: {  	[tilespmem:s18], [sflag:$0x1] =	stream.indirect_vreg.gather [hbm4b:s1+s3], $0x80, v4, vm0, $0xb8;
	[tilespmem:$0x8080] =	vst v63  }
0x4e: {  	_ = 	snop  }
0x4f: {  	[tilespmem:s19], [sflag:$0x1] =	stream.indirect_vreg.gather [hbm4b:s1+s3], $0x80, v3, vm0, $0xb8;
	[tilespmem:$0x8080] =	vst v63  }
0x50: {  	v3 =	vld [tilespmem:$0x60];
	_ =	sdelay $0x4  }
0x51: {  	v62 =	vshll.u32 v3, $0x1  }
0x52: {  	v3 =	vand.u32 $0x7, v3;
	v4 =	vand.u32 $0xFFFFFFF0, v62  }
0x53: {  	v3 =	vor.u32 v3, v4  }
0x54: {  	v4 =	vperm.xlane v3, v0;
	_ =	sdelay $0x1  }
0x55: {  	v3 =	vperm.xlane v3, v2;
	v4 =	vadd.s32 v1, v4;
	_ =	sdelay $0x1  }
0x56: {  	v3 =	vadd.s32 v1, v3;
	_ =	sdelay $0x2  }
0x57: {  	[tilespmem:s20], [sflag:$0x1] =	stream.indirect_vreg.gather [hbm4b:s1+s3], $0x80, v4, vm0, $0xb8;
	[tilespmem:$0x8080] =	vst v63  }
0x58: {  	_ = 	snop  }
0x59: {  	[tilespmem:s21], [sflag:$0x1] =	stream.indirect_vreg.gather [hbm4b:s1+s3], $0x80, v3, vm0, $0xb8;
	[tilespmem:$0x8080] =	vst v63  }
0x5a: {  	v3 =	vld [tilespmem:$0x70];
	_ =	sdelay $0x4  }
0x5b: {  	v63 =	vshll.u32 v3, $0x1  }
0x5c: {  	v3 =	vand.u32 $0x7, v3;
	v4 =	vand.u32 $0xFFFFFFF0, v63  }
0x5d: {  	v3 =	vor.u32 v3, v4  }
0x5e: {  	v4 =	vperm.xlane v3, v0;
	_ =	sdelay $0x1  }
0x5f: {  	v3 =	vperm.xlane v3, v2;
	v4 =	vadd.s32 v1, v4;
	_ =	sdelay $0x1  }
0x60: {  	v3 =	vadd.s32 v1, v3;
	_ =	sdelay $0x2  }
0x61: {  	[tilespmem:s22], [sflag:$0x1] =	stream.indirect_vreg.gather [hbm4b:s1+s3], $0x80, v4, vm0, $0xb8;
	[tilespmem:$0x8080] =	vst v63  }
0x62: {  	_ = 	snop  }
0x63: {  	[tilespmem:s23], [sflag:$0x1] =	stream.indirect_vreg.gather [hbm4b:s1+s3], $0x80, v3, vm0, $0xb8;
	[tilespmem:$0x8080] =	vst v63  }
0x64: {  	_ =	swait.ge [sflag:s24], $0x8000  }
0x65: {  	p0 =	sne.s32 s6, $0x1;
	[sflag:s24] =	ssyncset.done $0x0  }
.Ltmp0:
0x66: {  	[sflag:s24] =	ssyncadd.s32 $0xFFFF8000;
	(pc) =	sbr.rel @p0 .LBB2_1-.Ltmp0, $4  }
0x67: {  	[hbm4b:s5+s3] =	stream.linear.scatter [tilespmem:s8], [sflag:$0x2], $0x8000, $0x38;
	[tilespmem:$0x8080] =	vst v63  }
0x68: {  	_ =	swait.ge [sflag:s7], $0x8000  }
0x69: {  	[sflag:s7] =	ssyncset.done $0x0  }
0x6a: {  	s6 =	sadd.s32 $0xFFFFFFFF, s6;
	[sflag:s7] =	ssyncadd.s32 $0xFFFF8000  }
0x6b: {  	_ =	sfence.sel $0x180000  }
0x6c: {  	[bflag:$0x0] =	sbarrier.arrive $0xFFFF  }
0x6d: {  	p0 =	sne.s32 s2, $0x0;
	_ =	strace $0x90000047  }
0x6e: {  	s0 =	sadd.s32 @!p0 $0x100000, s0;
	[bflag:$0x2] =	sbarrier.arrive $0xFFFF  }
0x6f: {  	[sflag:s0] =	ssyncadd.tile.s32 @!p0 $0x1;
	_ =	shalt  }
.Lfunc_end2:
_tile_overlayer_lowered:
.L_overlay_start_2:
0x70: {  	(tag) =	ssettag $0x2  }
0x71: {  	s0 =	rddreg [dreg:$0x0];
	s2 =	stileid.u32  }
0x72: {  	s1 =	rddreg [dreg:$0x1];
	p0 =	sne.s32 s2, $0x0  }
0x73: {  	s3 =	rddreg [dreg:$0x2];
	[bflag:$0x3] =	sbarrier.arrive $0xFFFF;
	s2 =	simm.s32 @!p0 $0x1C02  }
0x74: {  	[timem:s3], [sflag:s2] =	dma.local @!p0 [hbm:s0], s1  }
0x75: {  	s0 =	simm.s32 @!p0 $0x2  }
0x76: {  	_ =	swait.ge @!p0 [sflag:s0], s1  }
0x77: {  	s1 =	ssub.s32 @!p0 $0x0, s1;
	[sflag:s0] =	ssyncset.done @!p0 $0x0  }
0x78: {  	[sflag:s0] =	ssyncadd.s32 @!p0 s1  }
0x79: {  	[bflag:$0x3] =	sbarrier.arrive $0xFFFF  }
0x7a: {  	_ =	shalt  }

</sc_bundles>
